<compile_context>
chip_gen: v7x
topology: tpu7x:2x2x1
jax: 0.10.2.dev20260603
libtpu: 0.0.44.dev20260713+nightly
codegen_flags: <defaults>
</compile_context>

<pallas_src>
import functools

import jax
import jax.numpy as jnp
from jax import lax
from jax.experimental import pallas as pl
from jax.experimental.pallas import tpu as pltpu
from jax.experimental.pallas import tpu_sc as plsc

TOP_K = 2
N_EXPERTS = 16
D_MODEL = 2048
N_TOKENS = 16384

NUM_CORES = 2
NUM_SUBCORES = 16
NUM_WORKERS = NUM_CORES * NUM_SUBCORES
TOK_PER_WORKER = N_TOKENS // NUM_WORKERS
LANES = 16
BLOCKS_PER_WORKER = TOK_PER_WORKER // LANES

_NEG_BIG = -3.0e38



def _proj_body(*refs):
    n_split = (len(refs) - 2) // 2
    x_refs = refs[:n_split]
    wt_refs = refs[n_split:2 * n_split]
    b_ref = refs[2 * n_split]
    out_ref = refs[2 * n_split + 1]
    acc = b_ref[...].astype(jnp.float32)
    for x_ref, wt_ref in zip(x_refs, wt_refs):
        acc = acc + jnp.dot(
            x_ref[...], wt_ref[...], preferred_element_type=jnp.float32
        )
    out_ref[...] = jnp.transpose(acc)


def _project_t(xf, wt, b2d, block_m, n_split=1):
    grid = (N_TOKENS // block_m,)
    kd = D_MODEL // n_split
    x_specs = [
        pl.BlockSpec((block_m, kd), lambda i, j=j: (i, j))
        for j in range(n_split)
    ]
    wt_specs = [
        pl.BlockSpec((kd, N_EXPERTS), lambda i, j=j: (j, 0))
        for j in range(n_split)
    ]
    return pl.pallas_call(
        _proj_body,
        grid=grid,
        in_specs=x_specs + wt_specs
        + [pl.BlockSpec((1, N_EXPERTS), lambda i: (0, 0))],
        out_specs=pl.BlockSpec((N_EXPERTS, block_m), lambda i: (0, i)),
        out_shape=jax.ShapeDtypeStruct((N_EXPERTS, N_TOKENS), jnp.float32),
    )(*([xf] * n_split + [wt] * n_split + [b2d]))



def _router_body(lgt_hbm, tkwt_hbm, tkit_hbm, rwt_hbm, lg_v, tkw_v, tki_v, rw_v):
    wid = lax.axis_index("s") * NUM_CORES + lax.axis_index("c")
    base = wid * TOK_PER_WORKER

    pltpu.sync_copy(lgt_hbm.at[:, pl.ds(base, TOK_PER_WORKER)], lg_v)

    def block(t, carry):
        toff = t * LANES
        cols = [lg_v[e, pl.ds(toff, LANES)] for e in range(N_EXPERTS)]
        m1 = cols[0]
        i1 = jnp.zeros((LANES,), jnp.int32)
        for e in range(1, N_EXPERTS):
            gt = cols[e] > m1
            m1 = jnp.where(gt, cols[e], m1)
            i1 = jnp.where(gt, jnp.int32(e), i1)
        m2 = jnp.full((LANES,), _NEG_BIG, jnp.float32)
        i2 = jnp.zeros((LANES,), jnp.int32)
        for e in range(N_EXPERTS):
            cand = jnp.where(i1 == e, _NEG_BIG, cols[e])
            gt = cand > m2
            m2 = jnp.where(gt, cand, m2)
            i2 = jnp.where(gt, jnp.int32(e), i2)
        s1 = 1.0 / (1.0 + jnp.exp(-m1))
        s2 = 1.0 / (1.0 + jnp.exp(-m2))

        tkw_v[0, pl.ds(toff, LANES)] = s1
        tkw_v[1, pl.ds(toff, LANES)] = s2
        tki_v[0, pl.ds(toff, LANES)] = i1
        tki_v[1, pl.ds(toff, LANES)] = i2
        zf = jnp.zeros((LANES,), jnp.float32)
        for e in range(N_EXPERTS):
            rw_v[e, pl.ds(toff, LANES)] = jnp.where(
                i1 == e, s1, jnp.where(i2 == e, s2, zf)
            )
        return carry

    lax.fori_loop(0, BLOCKS_PER_WORKER, block, jnp.int32(0))

    pltpu.sync_copy(tkw_v, tkwt_hbm.at[:, pl.ds(base, TOK_PER_WORKER)])
    pltpu.sync_copy(tki_v, tkit_hbm.at[:, pl.ds(base, TOK_PER_WORKER)])
    pltpu.sync_copy(rw_v, rwt_hbm.at[:, pl.ds(base, TOK_PER_WORKER)])


_route_t = functools.partial(
    pl.kernel,
    out_type=[
        jax.ShapeDtypeStruct((TOP_K, N_TOKENS), jnp.float32),
        jax.ShapeDtypeStruct((TOP_K, N_TOKENS), jnp.int32),
        jax.ShapeDtypeStruct((N_EXPERTS, N_TOKENS), jnp.float32),
    ],
    mesh=plsc.VectorSubcoreMesh(core_axis_name="c", subcore_axis_name="s"),
    scratch_types=[
        pltpu.VMEM((N_EXPERTS, TOK_PER_WORKER), jnp.float32),
        pltpu.VMEM((TOP_K, TOK_PER_WORKER), jnp.float32),
        pltpu.VMEM((TOP_K, TOK_PER_WORKER), jnp.int32),
        pltpu.VMEM((N_EXPERTS, TOK_PER_WORKER), jnp.float32),
    ],
    compiler_params=pltpu.CompilerParams(
        needs_layout_passes=False, use_tc_tiling_on_sc=False
    ),
)(_router_body)



def _epi_body(tkwt_ref, tkit_ref, rwt_ref, tkw_ref, tki_ref, rw_ref):
    tkw_ref[...] = jnp.transpose(tkwt_ref[...])
    tki_ref[...] = jnp.transpose(tkit_ref[...])
    rw_ref[...] = jnp.transpose(rwt_ref[...])


def _epilogue(tkwt, tkit, rwt, block_m):
    grid = (N_TOKENS // block_m,)
    return pl.pallas_call(
        _epi_body,
        grid=grid,
        in_specs=[
            pl.BlockSpec((TOP_K, block_m), lambda i: (0, i)),
            pl.BlockSpec((TOP_K, block_m), lambda i: (0, i)),
            pl.BlockSpec((N_EXPERTS, block_m), lambda i: (0, i)),
        ],
        out_specs=[
            pl.BlockSpec((block_m, TOP_K), lambda i: (i, 0)),
            pl.BlockSpec((block_m, TOP_K), lambda i: (i, 0)),
            pl.BlockSpec((block_m, N_EXPERTS), lambda i: (i, 0)),
        ],
        out_shape=[
            jax.ShapeDtypeStruct((N_TOKENS, TOP_K), jnp.float32),
            jax.ShapeDtypeStruct((N_TOKENS, TOP_K), jnp.int32),
            jax.ShapeDtypeStruct((N_TOKENS, N_EXPERTS), jnp.float32),
        ],
    )(tkwt, tkit, rwt)


@jax.jit
def kernel(x, W, b):
    xf = x.reshape(N_TOKENS, D_MODEL)
    wt = W.T
    b2d = b.reshape(1, N_EXPERTS)
    logits_t = _project_t(xf, wt, b2d, block_m=1024, n_split=2)
    tkwt, tkit, rwt = _route_t(logits_t)
    return jnp.transpose(tkwt), jnp.transpose(tkit), jnp.transpose(rwt)

# --- scband reference (transcript-rebuilt; emitter-appended) ---
"""Pipeline reference for scband-router-18090402251204 (READ-ONLY COPY).

The authoritative reference and input builder live on the scoring server;
editing this copy changes nothing except your own understanding.
"""

import jax, jax.numpy as jnp
import numpy as np

TOP_K = 2
N_EXPERTS = 16
D_MODEL = 2048

def setup_inputs(seed: int = 0) -> dict:
    key = jax.random.key(seed)
    k1, k2, k3 = jax.random.split(key, 3)
    x = jax.random.normal(k1, (4, 4096, D_MODEL), dtype=jnp.float32)
    # nn.Linear(d_model, n_experts): weight [n_experts, d_model], bias [n_experts]
    bound = 1.0 / np.sqrt(D_MODEL)
    W = jax.random.uniform(k2, (N_EXPERTS, D_MODEL), dtype=jnp.float32, minval=-bound, maxval=bound)
    b = jax.random.uniform(k3, (N_EXPERTS,), dtype=jnp.float32, minval=-bound, maxval=bound)
    return {"x": x, "W": W, "b": b}

def reference(x, W, b):
    batch, seq_len, d_model = x.shape
    # router linear projection
    x_routed = jnp.einsum('bsd,ed->bse', x, W) + b
    # flatten tokens
    x_flat = x_routed.reshape(-1, N_EXPERTS)
    x_flat = jax.nn.sigmoid(x_flat)
    # top-k expert selection per token
    top_k_weight, top_k_idx = jax.lax.top_k(x_flat, TOP_K)
    # scatter top-k weights back into a dense [n_tokens, n_experts] routing matrix
    n_tokens = x_flat.shape[0]
    router_weight = jnp.zeros_like(x_flat).at[
        jnp.arange(n_tokens)[:, None], top_k_idx
    ].set(top_k_weight)
    return top_k_weight, top_k_idx, router_weight

if __name__ == "__main__":
    import jax
    _d = setup_inputs()
    print(jax.jit(kernel)(*tuple(_d.values())))

</pallas_src>

<mosaic_0001>
#map = affine_map<(d0, d1) -> (0, 0)>
module attributes {stable_mosaic.version = 14 : i64} {
  func.func @_router_body(%arg0: i32, %arg1: i32, %arg2: memref<16x16384xf32, #tpu.memory_space<hbm>>, %arg3: memref<2x16384xf32, #tpu.memory_space<hbm>>, %arg4: memref<2x16384xi32, #tpu.memory_space<hbm>>, %arg5: memref<16x16384xf32, #tpu.memory_space<hbm>>, %arg6: memref<16x512xf32, #tpu.memory_space<vmem>>, %arg7: memref<2x512xf32, #tpu.memory_space<vmem>>, %arg8: memref<2x512xi32, #tpu.memory_space<vmem>>, %arg9: memref<16x512xf32, #tpu.memory_space<vmem>>) attributes {dimension_semantics = [#tpu.dimension_semantics<core_parallel>, #tpu.dimension_semantics<subcore_parallel>], iteration_bounds = array<i64: 2, 16>, scalar_prefetch = 0 : i64, scratch_operands = 4 : i64, tpu.core_type = #tpu.core_type<sc_vector_subcore>, window_params = [{transform_indices = #map}, {transform_indices = #map}, {transform_indices = #map}, {transform_indices = #map}]} {
    %mul3A = arith.constant 2 : i32
    %mul3A_0 = arith.muli %arg1, %mul3A : i32
    %add3A = arith.addi %mul3A_0, %arg0 : i32
    %mul3A_1 = arith.constant 512 : i32
    %mul3A_2 = arith.muli %add3A, %mul3A_1 : i32
    "tpu.region"() ({
      %run_scoped3A = tpu.sem_alloc : memref<!tpu.dma_semaphore, #tpu.memory_space<semaphore_mem>>
      %dma_start3A = arith.constant 0 : i32
      %dma_start3A_8 = tpu.memref_slice %arg2[%dma_start3A, %mul3A_2] : memref<16x16384xf32, #tpu.memory_space<hbm>> -> memref<16x512xf32, #tpu.memory_space<hbm>>
      %dma_start3A_9 = arith.constant 0 : i32
      %dma_start3A_10 = tpu.memref_slice %arg2[%dma_start3A_9, %mul3A_2] : memref<16x16384xf32, #tpu.memory_space<hbm>> -> memref<16x512xf32, #tpu.memory_space<hbm>>
      tpu.enqueue_dma source(%dma_start3A_10 : memref<16x512xf32, #tpu.memory_space<hbm>>) target(%arg6 : memref<16x512xf32, #tpu.memory_space<vmem>>) target_semaphore(%run_scoped3A : memref<!tpu.dma_semaphore, #tpu.memory_space<semaphore_mem>>)
      %dma_wait3A = arith.constant 0 : i32
      %dma_wait3A_11 = tpu.memref_slice %arg2[%dma_wait3A, %mul3A_2] : memref<16x16384xf32, #tpu.memory_space<hbm>> -> memref<16x512xf32, #tpu.memory_space<hbm>>
      %dma_wait3A_12 = arith.constant 0 : i32
      %dma_wait3A_13 = tpu.memref_slice %arg2[%dma_wait3A_12, %mul3A_2] : memref<16x16384xf32, #tpu.memory_space<hbm>> -> memref<16x512xf32, #tpu.memory_space<hbm>>
      tpu.wait_dma2 semaphore(%run_scoped3A : memref<!tpu.dma_semaphore, #tpu.memory_space<semaphore_mem>>) src(%dma_wait3A_13 : memref<16x512xf32, #tpu.memory_space<hbm>>) dst(%arg6 : memref<16x512xf32, #tpu.memory_space<vmem>>)
      tpu.yield
    }) : () -> ()
    %scan3A = arith.constant 0 : i32
    %scan3A_3 = arith.constant 0 : i32
    %scan3A_4 = arith.constant 32 : i32
    %scan3A_5 = arith.addi %scan3A_3, %scan3A_4 : i32
    %scan3A_6 = arith.constant 1 : i32
    scf.for %scan3A_8 = %scan3A_3 to %scan3A_5 step %scan3A_6  : i32 {
      %mul3A_9 = arith.constant 16 : i32
      %mul3A_10 = arith.muli %scan3A_8, %mul3A_9 : i32
      %get3A = arith.constant 0 : i32
      %get3A_11 = arith.index_cast %get3A : i32 to index
      %get3A_12 = arith.index_cast %mul3A_10 : i32 to index
      %get3A_13 = tpu.vector_load %arg6[%get3A_11, %get3A_12] {strides = array<i32>} : memref<16x512xf32, #tpu.memory_space<vmem>>, vector<16xf32>,
      %get3A_14 = arith.constant 1 : i32
      %get3A_15 = arith.index_cast %get3A_14 : i32 to index
      %get3A_16 = arith.index_cast %mul3A_10 : i32 to index
      %get3A_17 = tpu.vector_load %arg6[%get3A_15, %get3A_16] {strides = array<i32>} : memref<16x512xf32, #tpu.memory_space<vmem>>, vector<16xf32>,
      %get3A_18 = arith.constant 2 : i32
      %get3A_19 = arith.index_cast %get3A_18 : i32 to index
      %get3A_20 = arith.index_cast %mul3A_10 : i32 to index
      %get3A_21 = tpu.vector_load %arg6[%get3A_19, %get3A_20] {strides = array<i32>} : memref<16x512xf32, #tpu.memory_space<vmem>>, vector<16xf32>,
      %get3A_22 = arith.constant 3 : i32
      %get3A_23 = arith.index_cast %get3A_22 : i32 to index
      %get3A_24 = arith.index_cast %mul3A_10 : i32 to index
      %get3A_25 = tpu.vector_load %arg6[%get3A_23, %get3A_24] {strides = array<i32>} : memref<16x512xf32, #tpu.memory_space<vmem>>, vector<16xf32>,
      %get3A_26 = arith.constant 4 : i32
      %get3A_27 = arith.index_cast %get3A_26 : i32 to index
      %get3A_28 = arith.index_cast %mul3A_10 : i32 to index
      %get3A_29 = tpu.vector_load %arg6[%get3A_27, %get3A_28] {strides = array<i32>} : memref<16x512xf32, #tpu.memory_space<vmem>>, vector<16xf32>,
      %get3A_30 = arith.constant 5 : i32
      %get3A_31 = arith.index_cast %get3A_30 : i32 to index
      %get3A_32 = arith.index_cast %mul3A_10 : i32 to index
      %get3A_33 = tpu.vector_load %arg6[%get3A_31, %get3A_32] {strides = array<i32>} : memref<16x512xf32, #tpu.memory_space<vmem>>, vector<16xf32>,
      %get3A_34 = arith.constant 6 : i32
      %get3A_35 = arith.index_cast %get3A_34 : i32 to index
      %get3A_36 = arith.index_cast %mul3A_10 : i32 to index
      %get3A_37 = tpu.vector_load %arg6[%get3A_35, %get3A_36] {strides = array<i32>} : memref<16x512xf32, #tpu.memory_space<vmem>>, vector<16xf32>,
      %get3A_38 = arith.constant 7 : i32
      %get3A_39 = arith.index_cast %get3A_38 : i32 to index
      %get3A_40 = arith.index_cast %mul3A_10 : i32 to index
      %get3A_41 = tpu.vector_load %arg6[%get3A_39, %get3A_40] {strides = array<i32>} : memref<16x512xf32, #tpu.memory_space<vmem>>, vector<16xf32>,
      %get3A_42 = arith.constant 8 : i32
      %get3A_43 = arith.index_cast %get3A_42 : i32 to index
      %get3A_44 = arith.index_cast %mul3A_10 : i32 to index
      %get3A_45 = tpu.vector_load %arg6[%get3A_43, %get3A_44] {strides = array<i32>} : memref<16x512xf32, #tpu.memory_space<vmem>>, vector<16xf32>,
      %get3A_46 = arith.constant 9 : i32
      %get3A_47 = arith.index_cast %get3A_46 : i32 to index
      %get3A_48 = arith.index_cast %mul3A_10 : i32 to index
      %get3A_49 = tpu.vector_load %arg6[%get3A_47, %get3A_48] {strides = array<i32>} : memref<16x512xf32, #tpu.memory_space<vmem>>, vector<16xf32>,
      %get3A_50 = arith.constant 10 : i32
      %get3A_51 = arith.index_cast %get3A_50 : i32 to index
      %get3A_52 = arith.index_cast %mul3A_10 : i32 to index
      %get3A_53 = tpu.vector_load %arg6[%get3A_51, %get3A_52] {strides = array<i32>} : memref<16x512xf32, #tpu.memory_space<vmem>>, vector<16xf32>,
      %get3A_54 = arith.constant 11 : i32
      %get3A_55 = arith.index_cast %get3A_54 : i32 to index
      %get3A_56 = arith.index_cast %mul3A_10 : i32 to index
      %get3A_57 = tpu.vector_load %arg6[%get3A_55, %get3A_56] {strides = array<i32>} : memref<16x512xf32, #tpu.memory_space<vmem>>, vector<16xf32>,
      %get3A_58 = arith.constant 12 : i32
      %get3A_59 = arith.index_cast %get3A_58 : i32 to index
      %get3A_60 = arith.index_cast %mul3A_10 : i32 to index
      %get3A_61 = tpu.vector_load %arg6[%get3A_59, %get3A_60] {strides = array<i32>} : memref<16x512xf32, #tpu.memory_space<vmem>>, vector<16xf32>,
      %get3A_62 = arith.constant 13 : i32
      %get3A_63 = arith.index_cast %get3A_62 : i32 to index
      %get3A_64 = arith.index_cast %mul3A_10 : i32 to index
      %get3A_65 = tpu.vector_load %arg6[%get3A_63, %get3A_64] {strides = array<i32>} : memref<16x512xf32, #tpu.memory_space<vmem>>, vector<16xf32>,
      %get3A_66 = arith.constant 14 : i32
      %get3A_67 = arith.index_cast %get3A_66 : i32 to index
      %get3A_68 = arith.index_cast %mul3A_10 : i32 to index
      %get3A_69 = tpu.vector_load %arg6[%get3A_67, %get3A_68] {strides = array<i32>} : memref<16x512xf32, #tpu.memory_space<vmem>>, vector<16xf32>,
      %get3A_70 = arith.constant 15 : i32
      %get3A_71 = arith.index_cast %get3A_70 : i32 to index
      %get3A_72 = arith.index_cast %mul3A_10 : i32 to index
      %get3A_73 = tpu.vector_load %arg6[%get3A_71, %get3A_72] {strides = array<i32>} : memref<16x512xf32, #tpu.memory_space<vmem>>, vector<16xf32>,
      %broadcast_in_dim3A = arith.constant 0 : i32
      %broadcast_in_dim3A_74 = vector.broadcast %broadcast_in_dim3A : i32 to vector<16xi32>
      %gt3A = arith.cmpf ogt, %get3A_17, %get3A_13 : vector<16xf32>
      %select_n3A = arith.select %gt3A, %get3A_17, %get3A_13 : vector<16xi1>, vector<16xf32>
      %jit3A = arith.constant 1 : i32
      %broadcast_in_dim3A_75 = vector.broadcast %jit3A : i32 to vector<16xi32>
      %select_n3A_76 = arith.select %gt3A, %broadcast_in_dim3A_75, %broadcast_in_dim3A_74 : vector<16xi1>, vector<16xi32>
      %gt3A_77 = arith.cmpf ogt, %get3A_21, %select_n3A : vector<16xf32>
      %select_n3A_78 = arith.select %gt3A_77, %get3A_21, %select_n3A : vector<16xi1>, vector<16xf32>
      %jit3A_79 = arith.constant 2 : i32
      %broadcast_in_dim3A_80 = vector.broadcast %jit3A_79 : i32 to vector<16xi32>
      %select_n3A_81 = arith.select %gt3A_77, %broadcast_in_dim3A_80, %select_n3A_76 : vector<16xi1>, vector<16xi32>
      %gt3A_82 = arith.cmpf ogt, %get3A_25, %select_n3A_78 : vector<16xf32>
      %select_n3A_83 = arith.select %gt3A_82, %get3A_25, %select_n3A_78 : vector<16xi1>, vector<16xf32>
      %jit3A_84 = arith.constant 3 : i32
      %broadcast_in_dim3A_85 = vector.broadcast %jit3A_84 : i32 to vector<16xi32>
      %select_n3A_86 = arith.select %gt3A_82, %broadcast_in_dim3A_85, %select_n3A_81 : vector<16xi1>, vector<16xi32>
      %gt3A_87 = arith.cmpf ogt, %get3A_29, %select_n3A_83 : vector<16xf32>
      %select_n3A_88 = arith.select %gt3A_87, %get3A_29, %select_n3A_83 : vector<16xi1>, vector<16xf32>
      %jit3A_89 = arith.constant 4 : i32
      %broadcast_in_dim3A_90 = vector.broadcast %jit3A_89 : i32 to vector<16xi32>
      %select_n3A_91 = arith.select %gt3A_87, %broadcast_in_dim3A_90, %select_n3A_86 : vector<16xi1>, vector<16xi32>
      %gt3A_92 = arith.cmpf ogt, %get3A_33, %select_n3A_88 : vector<16xf32>
      %select_n3A_93 = arith.select %gt3A_92, %get3A_33, %select_n3A_88 : vector<16xi1>, vector<16xf32>
      %jit3A_94 = arith.constant 5 : i32
      %broadcast_in_dim3A_95 = vector.broadcast %jit3A_94 : i32 to vector<16xi32>
      %select_n3A_96 = arith.select %gt3A_92, %broadcast_in_dim3A_95, %select_n3A_91 : vector<16xi1>, vector<16xi32>
      %gt3A_97 = arith.cmpf ogt, %get3A_37, %select_n3A_93 : vector<16xf32>
      %select_n3A_98 = arith.select %gt3A_97, %get3A_37, %select_n3A_93 : vector<16xi1>, vector<16xf32>
      %jit3A_99 = arith.constant 6 : i32
      %broadcast_in_dim3A_100 = vector.broadcast %jit3A_99 : i32 to vector<16xi32>
      %select_n3A_101 = arith.select %gt3A_97, %broadcast_in_dim3A_100, %select_n3A_96 : vector<16xi1>, vector<16xi32>
      %gt3A_102 = arith.cmpf ogt, %get3A_41, %select_n3A_98 : vector<16xf32>
      %select_n3A_103 = arith.select %gt3A_102, %get3A_41, %select_n3A_98 : vector<16xi1>, vector<16xf32>
      %jit3A_104 = arith.constant 7 : i32
      %broadcast_in_dim3A_105 = vector.broadcast %jit3A_104 : i32 to vector<16xi32>
      %select_n3A_106 = arith.select %gt3A_102, %broadcast_in_dim3A_105, %select_n3A_101 : vector<16xi1>, vector<16xi32>
      %gt3A_107 = arith.cmpf ogt, %get3A_45, %select_n3A_103 : vector<16xf32>
      %select_n3A_108 = arith.select %gt3A_107, %get3A_45, %select_n3A_103 : vector<16xi1>, vector<16xf32>
      %jit3A_109 = arith.constant 8 : i32
      %broadcast_in_dim3A_110 = vector.broadcast %jit3A_109 : i32 to vector<16xi32>
      %select_n3A_111 = arith.select %gt3A_107, %broadcast_in_dim3A_110, %select_n3A_106 : vector<16xi1>, vector<16xi32>
      %gt3A_112 = arith.cmpf ogt, %get3A_49, %select_n3A_108 : vector<16xf32>
      %select_n3A_113 = arith.select %gt3A_112, %get3A_49, %select_n3A_108 : vector<16xi1>, vector<16xf32>
      %jit3A_114 = arith.constant 9 : i32
      %broadcast_in_dim3A_115 = vector.broadcast %jit3A_114 : i32 to vector<16xi32>
      %select_n3A_116 = arith.select %gt3A_112, %broadcast_in_dim3A_115, %select_n3A_111 : vector<16xi1>, vector<16xi32>
      %gt3A_117 = arith.cmpf ogt, %get3A_53, %select_n3A_113 : vector<16xf32>
      %select_n3A_118 = arith.select %gt3A_117, %get3A_53, %select_n3A_113 : vector<16xi1>, vector<16xf32>
      %jit3A_119 = arith.constant 10 : i32
      %broadcast_in_dim3A_120 = vector.broadcast %jit3A_119 : i32 to vector<16xi32>
      %select_n3A_121 = arith.select %gt3A_117, %broadcast_in_dim3A_120, %select_n3A_116 : vector<16xi1>, vector<16xi32>
      %gt3A_122 = arith.cmpf ogt, %get3A_57, %select_n3A_118 : vector<16xf32>
      %select_n3A_123 = arith.select %gt3A_122, %get3A_57, %select_n3A_118 : vector<16xi1>, vector<16xf32>
      %jit3A_124 = arith.constant 11 : i32
      %broadcast_in_dim3A_125 = vector.broadcast %jit3A_124 : i32 to vector<16xi32>
      %select_n3A_126 = arith.select %gt3A_122, %broadcast_in_dim3A_125, %select_n3A_121 : vector<16xi1>, vector<16xi32>
      %gt3A_127 = arith.cmpf ogt, %get3A_61, %select_n3A_123 : vector<16xf32>
      %select_n3A_128 = arith.select %gt3A_127, %get3A_61, %select_n3A_123 : vector<16xi1>, vector<16xf32>
      %jit3A_129 = arith.constant 12 : i32
      %broadcast_in_dim3A_130 = vector.broadcast %jit3A_129 : i32 to vector<16xi32>
      %select_n3A_131 = arith.select %gt3A_127, %broadcast_in_dim3A_130, %select_n3A_126 : vector<16xi1>, vector<16xi32>
      %gt3A_132 = arith.cmpf ogt, %get3A_65, %select_n3A_128 : vector<16xf32>
      %select_n3A_133 = arith.select %gt3A_132, %get3A_65, %select_n3A_128 : vector<16xi1>, vector<16xf32>
      %jit3A_134 = arith.constant 13 : i32
      %broadcast_in_dim3A_135 = vector.broadcast %jit3A_134 : i32 to vector<16xi32>
      %select_n3A_136 = arith.select %gt3A_132, %broadcast_in_dim3A_135, %select_n3A_131 : vector<16xi1>, vector<16xi32>
      %gt3A_137 = arith.cmpf ogt, %get3A_69, %select_n3A_133 : vector<16xf32>
      %select_n3A_138 = arith.select %gt3A_137, %get3A_69, %select_n3A_133 : vector<16xi1>, vector<16xf32>
      %jit3A_139 = arith.constant 14 : i32
      %broadcast_in_dim3A_140 = vector.broadcast %jit3A_139 : i32 to vector<16xi32>
      %select_n3A_141 = arith.select %gt3A_137, %broadcast_in_dim3A_140, %select_n3A_136 : vector<16xi1>, vector<16xi32>
      %gt3A_142 = arith.cmpf ogt, %get3A_73, %select_n3A_138 : vector<16xf32>
      %select_n3A_143 = arith.select %gt3A_142, %get3A_73, %select_n3A_138 : vector<16xi1>, vector<16xf32>
      %jit3A_144 = arith.constant 15 : i32
      %broadcast_in_dim3A_145 = vector.broadcast %jit3A_144 : i32 to vector<16xi32>
      %select_n3A_146 = arith.select %gt3A_142, %broadcast_in_dim3A_145, %select_n3A_141 : vector<16xi1>, vector<16xi32>
      %broadcast_in_dim3A_147 = arith.constant -3.000000e+38 : f32
      %broadcast_in_dim3A_148 = vector.broadcast %broadcast_in_dim3A_147 : f32 to vector<16xf32>
      %broadcast_in_dim3A_149 = arith.constant 0 : i32
      %broadcast_in_dim3A_150 = vector.broadcast %broadcast_in_dim3A_149 : i32 to vector<16xi32>
      %eq3A = arith.constant 0 : i32
      %eq3A_151 = vector.broadcast %eq3A : i32 to vector<16xi32>
      %eq3A_152 = arith.cmpi eq, %select_n3A_146, %eq3A_151 : vector<16xi32>
      %jit3A_153 = arith.constant -3.000000e+38 : f32
      %broadcast_in_dim3A_154 = vector.broadcast %jit3A_153 : f32 to vector<16xf32>
      %select_n3A_155 = arith.select %eq3A_152, %broadcast_in_dim3A_154, %get3A_13 : vector<16xi1>, vector<16xf32>
      %gt3A_156 = arith.cmpf ogt, %select_n3A_155, %broadcast_in_dim3A_148 : vector<16xf32>
      %select_n3A_157 = arith.select %gt3A_156, %select_n3A_155, %broadcast_in_dim3A_148 : vector<16xi1>, vector<16xf32>
      %jit3A_158 = arith.constant 0 : i32
      %broadcast_in_dim3A_159 = vector.broadcast %jit3A_158 : i32 to vector<16xi32>
      %select_n3A_160 = arith.select %gt3A_156, %broadcast_in_dim3A_159, %broadcast_in_dim3A_150 : vector<16xi1>, vector<16xi32>
      %eq3A_161 = arith.constant 1 : i32
      %eq3A_162 = vector.broadcast %eq3A_161 : i32 to vector<16xi32>
      %eq3A_163 = arith.cmpi eq, %select_n3A_146, %eq3A_162 : vector<16xi32>
      %jit3A_164 = arith.constant -3.000000e+38 : f32
      %broadcast_in_dim3A_165 = vector.broadcast %jit3A_164 : f32 to vector<16xf32>
      %select_n3A_166 = arith.select %eq3A_163, %broadcast_in_dim3A_165, %get3A_17 : vector<16xi1>, vector<16xf32>
      %gt3A_167 = arith.cmpf ogt, %select_n3A_166, %select_n3A_157 : vector<16xf32>
      %select_n3A_168 = arith.select %gt3A_167, %select_n3A_166, %select_n3A_157 : vector<16xi1>, vector<16xf32>
      %jit3A_169 = arith.constant 1 : i32
      %broadcast_in_dim3A_170 = vector.broadcast %jit3A_169 : i32 to vector<16xi32>
      %select_n3A_171 = arith.select %gt3A_167, %broadcast_in_dim3A_170, %select_n3A_160 : vector<16xi1>, vector<16xi32>
      %eq3A_172 = arith.constant 2 : i32
      %eq3A_173 = vector.broadcast %eq3A_172 : i32 to vector<16xi32>
      %eq3A_174 = arith.cmpi eq, %select_n3A_146, %eq3A_173 : vector<16xi32>
      %jit3A_175 = arith.constant -3.000000e+38 : f32
      %broadcast_in_dim3A_176 = vector.broadcast %jit3A_175 : f32 to vector<16xf32>
      %select_n3A_177 = arith.select %eq3A_174, %broadcast_in_dim3A_176, %get3A_21 : vector<16xi1>, vector<16xf32>
      %gt3A_178 = arith.cmpf ogt, %select_n3A_177, %select_n3A_168 : vector<16xf32>
      %select_n3A_179 = arith.select %gt3A_178, %select_n3A_177, %select_n3A_168 : vector<16xi1>, vector<16xf32>
      %jit3A_180 = arith.constant 2 : i32
      %broadcast_in_dim3A_181 = vector.broadcast %jit3A_180 : i32 to vector<16xi32>
      %select_n3A_182 = arith.select %gt3A_178, %broadcast_in_dim3A_181, %select_n3A_171 : vector<16xi1>, vector<16xi32>
      %eq3A_183 = arith.constant 3 : i32
      %eq3A_184 = vector.broadcast %eq3A_183 : i32 to vector<16xi32>
      %eq3A_185 = arith.cmpi eq, %select_n3A_146, %eq3A_184 : vector<16xi32>
      %jit3A_186 = arith.constant -3.000000e+38 : f32
      %broadcast_in_dim3A_187 = vector.broadcast %jit3A_186 : f32 to vector<16xf32>
      %select_n3A_188 = arith.select %eq3A_185, %broadcast_in_dim3A_187, %get3A_25 : vector<16xi1>, vector<16xf32>
      %gt3A_189 = arith.cmpf ogt, %select_n3A_188, %select_n3A_179 : vector<16xf32>
      %select_n3A_190 = arith.select %gt3A_189, %select_n3A_188, %select_n3A_179 : vector<16xi1>, vector<16xf32>
      %jit3A_191 = arith.constant 3 : i32
      %broadcast_in_dim3A_192 = vector.broadcast %jit3A_191 : i32 to vector<16xi32>
      %select_n3A_193 = arith.select %gt3A_189, %broadcast_in_dim3A_192, %select_n3A_182 : vector<16xi1>, vector<16xi32>
      %eq3A_194 = arith.constant 4 : i32
      %eq3A_195 = vector.broadcast %eq3A_194 : i32 to vector<16xi32>
      %eq3A_196 = arith.cmpi eq, %select_n3A_146, %eq3A_195 : vector<16xi32>
      %jit3A_197 = arith.constant -3.000000e+38 : f32
      %broadcast_in_dim3A_198 = vector.broadcast %jit3A_197 : f32 to vector<16xf32>
      %select_n3A_199 = arith.select %eq3A_196, %broadcast_in_dim3A_198, %get3A_29 : vector<16xi1>, vector<16xf32>
      %gt3A_200 = arith.cmpf ogt, %select_n3A_199, %select_n3A_190 : vector<16xf32>
      %select_n3A_201 = arith.select %gt3A_200, %select_n3A_199, %select_n3A_190 : vector<16xi1>, vector<16xf32>
      %jit3A_202 = arith.constant 4 : i32
      %broadcast_in_dim3A_203 = vector.broadcast %jit3A_202 : i32 to vector<16xi32>
      %select_n3A_204 = arith.select %gt3A_200, %broadcast_in_dim3A_203, %select_n3A_193 : vector<16xi1>, vector<16xi32>
      %eq3A_205 = arith.constant 5 : i32
      %eq3A_206 = vector.broadcast %eq3A_205 : i32 to vector<16xi32>
      %eq3A_207 = arith.cmpi eq, %select_n3A_146, %eq3A_206 : vector<16xi32>
      %jit3A_208 = arith.constant -3.000000e+38 : f32
      %broadcast_in_dim3A_209 = vector.broadcast %jit3A_208 : f32 to vector<16xf32>
      %select_n3A_210 = arith.select %eq3A_207, %broadcast_in_dim3A_209, %get3A_33 : vector<16xi1>, vector<16xf32>
      %gt3A_211 = arith.cmpf ogt, %select_n3A_210, %select_n3A_201 : vector<16xf32>
      %select_n3A_212 = arith.select %gt3A_211, %select_n3A_210, %select_n3A_201 : vector<16xi1>, vector<16xf32>
      %jit3A_213 = arith.constant 5 : i32
      %broadcast_in_dim3A_214 = vector.broadcast %jit3A_213 : i32 to vector<16xi32>
      %select_n3A_215 = arith.select %gt3A_211, %broadcast_in_dim3A_214, %select_n3A_204 : vector<16xi1>, vector<16xi32>
      %eq3A_216 = arith.constant 6 : i32
      %eq3A_217 = vector.broadcast %eq3A_216 : i32 to vector<16xi32>
      %eq3A_218 = arith.cmpi eq, %select_n3A_146, %eq3A_217 : vector<16xi32>
      %jit3A_219 = arith.constant -3.000000e+38 : f32
      %broadcast_in_dim3A_220 = vector.broadcast %jit3A_219 : f32 to vector<16xf32>
      %select_n3A_221 = arith.select %eq3A_218, %broadcast_in_dim3A_220, %get3A_37 : vector<16xi1>, vector<16xf32>
      %gt3A_222 = arith.cmpf ogt, %select_n3A_221, %select_n3A_212 : vector<16xf32>
      %select_n3A_223 = arith.select %gt3A_222, %select_n3A_221, %select_n3A_212 : vector<16xi1>, vector<16xf32>
      %jit3A_224 = arith.constant 6 : i32
      %broadcast_in_dim3A_225 = vector.broadcast %jit3A_224 : i32 to vector<16xi32>
      %select_n3A_226 = arith.select %gt3A_222, %broadcast_in_dim3A_225, %select_n3A_215 : vector<16xi1>, vector<16xi32>
      %eq3A_227 = arith.constant 7 : i32
      %eq3A_228 = vector.broadcast %eq3A_227 : i32 to vector<16xi32>
      %eq3A_229 = arith.cmpi eq, %select_n3A_146, %eq3A_228 : vector<16xi32>
      %jit3A_230 = arith.constant -3.000000e+38 : f32
      %broadcast_in_dim3A_231 = vector.broadcast %jit3A_230 : f32 to vector<16xf32>
      %select_n3A_232 = arith.select %eq3A_229, %broadcast_in_dim3A_231, %get3A_41 : vector<16xi1>, vector<16xf32>
      %gt3A_233 = arith.cmpf ogt, %select_n3A_232, %select_n3A_223 : vector<16xf32>
      %select_n3A_234 = arith.select %gt3A_233, %select_n3A_232, %select_n3A_223 : vector<16xi1>, vector<16xf32>
      %jit3A_235 = arith.constant 7 : i32
      %broadcast_in_dim3A_236 = vector.broadcast %jit3A_235 : i32 to vector<16xi32>
      %select_n3A_237 = arith.select %gt3A_233, %broadcast_in_dim3A_236, %select_n3A_226 : vector<16xi1>, vector<16xi32>
      %eq3A_238 = arith.constant 8 : i32
      %eq3A_239 = vector.broadcast %eq3A_238 : i32 to vector<16xi32>
      %eq3A_240 = arith.cmpi eq, %select_n3A_146, %eq3A_239 : vector<16xi32>
      %jit3A_241 = arith.constant -3.000000e+38 : f32
      %broadcast_in_dim3A_242 = vector.broadcast %jit3A_241 : f32 to vector<16xf32>
      %select_n3A_243 = arith.select %eq3A_240, %broadcast_in_dim3A_242, %get3A_45 : vector<16xi1>, vector<16xf32>
      %gt3A_244 = arith.cmpf ogt, %select_n3A_243, %select_n3A_234 : vector<16xf32>
      %select_n3A_245 = arith.select %gt3A_244, %select_n3A_243, %select_n3A_234 : vector<16xi1>, vector<16xf32>
      %jit3A_246 = arith.constant 8 : i32
      %broadcast_in_dim3A_247 = vector.broadcast %jit3A_246 : i32 to vector<16xi32>
      %select_n3A_248 = arith.select %gt3A_244, %broadcast_in_dim3A_247, %select_n3A_237 : vector<16xi1>, vector<16xi32>
      %eq3A_249 = arith.constant 9 : i32
      %eq3A_250 = vector.broadcast %eq3A_249 : i32 to vector<16xi32>
      %eq3A_251 = arith.cmpi eq, %select_n3A_146, %eq3A_250 : vector<16xi32>
      %jit3A_252 = arith.constant -3.000000e+38 : f32
      %broadcast_in_dim3A_253 = vector.broadcast %jit3A_252 : f32 to vector<16xf32>
      %select_n3A_254 = arith.select %eq3A_251, %broadcast_in_dim3A_253, %get3A_49 : vector<16xi1>, vector<16xf32>
      %gt3A_255 = arith.cmpf ogt, %select_n3A_254, %select_n3A_245 : vector<16xf32>
      %select_n3A_256 = arith.select %gt3A_255, %select_n3A_254, %select_n3A_245 : vector<16xi1>, vector<16xf32>
      %jit3A_257 = arith.constant 9 : i32
      %broadcast_in_dim3A_258 = vector.broadcast %jit3A_257 : i32 to vector<16xi32>
      %select_n3A_259 = arith.select %gt3A_255, %broadcast_in_dim3A_258, %select_n3A_248 : vector<16xi1>, vector<16xi32>
      %eq3A_260 = arith.constant 10 : i32
      %eq3A_261 = vector.broadcast %eq3A_260 : i32 to vector<16xi32>
      %eq3A_262 = arith.cmpi eq, %select_n3A_146, %eq3A_261 : vector<16xi32>
      %jit3A_263 = arith.constant -3.000000e+38 : f32
      %broadcast_in_dim3A_264 = vector.broadcast %jit3A_263 : f32 to vector<16xf32>
      %select_n3A_265 = arith.select %eq3A_262, %broadcast_in_dim3A_264, %get3A_53 : vector<16xi1>, vector<16xf32>
      %gt3A_266 = arith.cmpf ogt, %select_n3A_265, %select_n3A_256 : vector<16xf32>
      %select_n3A_267 = arith.select %gt3A_266, %select_n3A_265, %select_n3A_256 : vector<16xi1>, vector<16xf32>
      %jit3A_268 = arith.constant 10 : i32
      %broadcast_in_dim3A_269 = vector.broadcast %jit3A_268 : i32 to vector<16xi32>
      %select_n3A_270 = arith.select %gt3A_266, %broadcast_in_dim3A_269, %select_n3A_259 : vector<16xi1>, vector<16xi32>
      %eq3A_271 = arith.constant 11 : i32
      %eq3A_272 = vector.broadcast %eq3A_271 : i32 to vector<16xi32>
      %eq3A_273 = arith.cmpi eq, %select_n3A_146, %eq3A_272 : vector<16xi32>
      %jit3A_274 = arith.constant -3.000000e+38 : f32
      %broadcast_in_dim3A_275 = vector.broadcast %jit3A_274 : f32 to vector<16xf32>
      %select_n3A_276 = arith.select %eq3A_273, %broadcast_in_dim3A_275, %get3A_57 : vector<16xi1>, vector<16xf32>
      %gt3A_277 = arith.cmpf ogt, %select_n3A_276, %select_n3A_267 : vector<16xf32>
      %select_n3A_278 = arith.select %gt3A_277, %select_n3A_276, %select_n3A_267 : vector<16xi1>, vector<16xf32>
      %jit3A_279 = arith.constant 11 : i32
      %broadcast_in_dim3A_280 = vector.broadcast %jit3A_279 : i32 to vector<16xi32>
      %select_n3A_281 = arith.select %gt3A_277, %broadcast_in_dim3A_280, %select_n3A_270 : vector<16xi1>, vector<16xi32>
      %eq3A_282 = arith.constant 12 : i32
      %eq3A_283 = vector.broadcast %eq3A_282 : i32 to vector<16xi32>
      %eq3A_284 = arith.cmpi eq, %select_n3A_146, %eq3A_283 : vector<16xi32>
      %jit3A_285 = arith.constant -3.000000e+38 : f32
      %broadcast_in_dim3A_286 = vector.broadcast %jit3A_285 : f32 to vector<16xf32>
      %select_n3A_287 = arith.select %eq3A_284, %broadcast_in_dim3A_286, %get3A_61 : vector<16xi1>, vector<16xf32>
      %gt3A_288 = arith.cmpf ogt, %select_n3A_287, %select_n3A_278 : vector<16xf32>
      %select_n3A_289 = arith.select %gt3A_288, %select_n3A_287, %select_n3A_278 : vector<16xi1>, vector<16xf32>
      %jit3A_290 = arith.constant 12 : i32
      %broadcast_in_dim3A_291 = vector.broadcast %jit3A_290 : i32 to vector<16xi32>
      %select_n3A_292 = arith.select %gt3A_288, %broadcast_in_dim3A_291, %select_n3A_281 : vector<16xi1>, vector<16xi32>
      %eq3A_293 = arith.constant 13 : i32
      %eq3A_294 = vector.broadcast %eq3A_293 : i32 to vector<16xi32>
      %eq3A_295 = arith.cmpi eq, %select_n3A_146, %eq3A_294 : vector<16xi32>
      %jit3A_296 = arith.constant -3.000000e+38 : f32
      %broadcast_in_dim3A_297 = vector.broadcast %jit3A_296 : f32 to vector<16xf32>
      %select_n3A_298 = arith.select %eq3A_295, %broadcast_in_dim3A_297, %get3A_65 : vector<16xi1>, vector<16xf32>
      %gt3A_299 = arith.cmpf ogt, %select_n3A_298, %select_n3A_289 : vector<16xf32>
      %select_n3A_300 = arith.select %gt3A_299, %select_n3A_298, %select_n3A_289 : vector<16xi1>, vector<16xf32>
      %jit3A_301 = arith.constant 13 : i32
      %broadcast_in_dim3A_302 = vector.broadcast %jit3A_301 : i32 to vector<16xi32>
      %select_n3A_303 = arith.select %gt3A_299, %broadcast_in_dim3A_302, %select_n3A_292 : vector<16xi1>, vector<16xi32>
      %eq3A_304 = arith.constant 14 : i32
      %eq3A_305 = vector.broadcast %eq3A_304 : i32 to vector<16xi32>
      %eq3A_306 = arith.cmpi eq, %select_n3A_146, %eq3A_305 : vector<16xi32>
      %jit3A_307 = arith.constant -3.000000e+38 : f32
      %broadcast_in_dim3A_308 = vector.broadcast %jit3A_307 : f32 to vector<16xf32>
      %select_n3A_309 = arith.select %eq3A_306, %broadcast_in_dim3A_308, %get3A_69 : vector<16xi1>, vector<16xf32>
      %gt3A_310 = arith.cmpf ogt, %select_n3A_309, %select_n3A_300 : vector<16xf32>
      %select_n3A_311 = arith.select %gt3A_310, %select_n3A_309, %select_n3A_300 : vector<16xi1>, vector<16xf32>
      %jit3A_312 = arith.constant 14 : i32
      %broadcast_in_dim3A_313 = vector.broadcast %jit3A_312 : i32 to vector<16xi32>
      %select_n3A_314 = arith.select %gt3A_310, %broadcast_in_dim3A_313, %select_n3A_303 : vector<16xi1>, vector<16xi32>
      %eq3A_315 = arith.constant 15 : i32
      %eq3A_316 = vector.broadcast %eq3A_315 : i32 to vector<16xi32>
      %eq3A_317 = arith.cmpi eq, %select_n3A_146, %eq3A_316 : vector<16xi32>
      %jit3A_318 = arith.constant -3.000000e+38 : f32
      %broadcast_in_dim3A_319 = vector.broadcast %jit3A_318 : f32 to vector<16xf32>
      %select_n3A_320 = arith.select %eq3A_317, %broadcast_in_dim3A_319, %get3A_73 : vector<16xi1>, vector<16xf32>
      %gt3A_321 = arith.cmpf ogt, %select_n3A_320, %select_n3A_311 : vector<16xf32>
      %select_n3A_322 = arith.select %gt3A_321, %select_n3A_320, %select_n3A_311 : vector<16xi1>, vector<16xf32>
      %jit3A_323 = arith.constant 15 : i32
      %broadcast_in_dim3A_324 = vector.broadcast %jit3A_323 : i32 to vector<16xi32>
      %select_n3A_325 = arith.select %gt3A_321, %broadcast_in_dim3A_324, %select_n3A_314 : vector<16xi1>, vector<16xi32>
      %neg3A = arith.constant 0.000000e+00 : f32
      %neg3A_326 = vector.broadcast %neg3A : f32 to vector<16xf32>
      %neg3A_327 = arith.subf %neg3A_326, %select_n3A_143 : vector<16xf32>
      %exp3A = math.exp %neg3A_327 : vector<16xf32>
      %add3A_328 = arith.constant 1.000000e+00 : f32
      %add3A_329 = vector.broadcast %add3A_328 : f32 to vector<16xf32>
      %add3A_330 = arith.addf %add3A_329, %exp3A : vector<16xf32>
      %div3A = arith.constant 1.000000e+00 : f32
      %div3A_331 = vector.broadcast %div3A : f32 to vector<16xf32>
      %div3A_332 = arith.divf %div3A_331, %add3A_330 : vector<16xf32>
      %neg3A_333 = arith.constant 0.000000e+00 : f32
      %neg3A_334 = vector.broadcast %neg3A_333 : f32 to vector<16xf32>
      %neg3A_335 = arith.subf %neg3A_334, %select_n3A_322 : vector<16xf32>
      %exp3A_336 = math.exp %neg3A_335 : vector<16xf32>
      %add3A_337 = arith.constant 1.000000e+00 : f32
      %add3A_338 = vector.broadcast %add3A_337 : f32 to vector<16xf32>
      %add3A_339 = arith.addf %add3A_338, %exp3A_336 : vector<16xf32>
      %div3A_340 = arith.constant 1.000000e+00 : f32
      %div3A_341 = vector.broadcast %div3A_340 : f32 to vector<16xf32>
      %div3A_342 = arith.divf %div3A_341, %add3A_339 : vector<16xf32>
      %swap3A = arith.constant 0 : i32
      %swap3A_343 = arith.index_cast %swap3A : i32 to index
      %swap3A_344 = arith.index_cast %mul3A_10 : i32 to index
      %swap3A_345 = tpu.vector_load %arg7[%swap3A_343, %swap3A_344] {strides = array<i32>} : memref<2x512xf32, #tpu.memory_space<vmem>>, vector<16xf32>,
      tpu.vector_store %arg7[%swap3A_343, %swap3A_344], %div3A_332 {strides = array<i32>} : memref<2x512xf32, #tpu.memory_space<vmem>>, vector<16xf32>,
      %swap3A_346 = arith.constant 1 : i32
      %swap3A_347 = arith.index_cast %swap3A_346 : i32 to index
      %swap3A_348 = arith.index_cast %mul3A_10 : i32 to index
      %swap3A_349 = tpu.vector_load %arg7[%swap3A_347, %swap3A_348] {strides = array<i32>} : memref<2x512xf32, #tpu.memory_space<vmem>>, vector<16xf32>,
      tpu.vector_store %arg7[%swap3A_347, %swap3A_348], %div3A_342 {strides = array<i32>} : memref<2x512xf32, #tpu.memory_space<vmem>>, vector<16xf32>,
      %swap3A_350 = arith.constant 0 : i32
      %swap3A_351 = arith.index_cast %swap3A_350 : i32 to index
      %swap3A_352 = arith.index_cast %mul3A_10 : i32 to index
      %swap3A_353 = tpu.vector_load %arg8[%swap3A_351, %swap3A_352] {strides = array<i32>} : memref<2x512xi32, #tpu.memory_space<vmem>>, vector<16xi32>,
      tpu.vector_store %arg8[%swap3A_351, %swap3A_352], %select_n3A_146 {strides = array<i32>} : memref<2x512xi32, #tpu.memory_space<vmem>>, vector<16xi32>,
      %swap3A_354 = arith.constant 1 : i32
      %swap3A_355 = arith.index_cast %swap3A_354 : i32 to index
      %swap3A_356 = arith.index_cast %mul3A_10 : i32 to index
      %swap3A_357 = tpu.vector_load %arg8[%swap3A_355, %swap3A_356] {strides = array<i32>} : memref<2x512xi32, #tpu.memory_space<vmem>>, vector<16xi32>,
      tpu.vector_store %arg8[%swap3A_355, %swap3A_356], %select_n3A_325 {strides = array<i32>} : memref<2x512xi32, #tpu.memory_space<vmem>>, vector<16xi32>,
      %broadcast_in_dim3A_358 = arith.constant 0.000000e+00 : f32
      %broadcast_in_dim3A_359 = vector.broadcast %broadcast_in_dim3A_358 : f32 to vector<16xf32>
      %eq3A_360 = arith.constant 0 : i32
      %eq3A_361 = vector.broadcast %eq3A_360 : i32 to vector<16xi32>
      %eq3A_362 = arith.cmpi eq, %select_n3A_146, %eq3A_361 : vector<16xi32>
      %eq3A_363 = arith.constant 0 : i32
      %eq3A_364 = vector.broadcast %eq3A_363 : i32 to vector<16xi32>
      %eq3A_365 = arith.cmpi eq, %select_n3A_325, %eq3A_364 : vector<16xi32>
      %select_n3A_366 = arith.select %eq3A_365, %div3A_342, %broadcast_in_dim3A_359 : vector<16xi1>, vector<16xf32>
      %select_n3A_367 = arith.select %eq3A_362, %div3A_332, %select_n3A_366 : vector<16xi1>, vector<16xf32>
      %swap3A_368 = arith.constant 0 : i32
      %swap3A_369 = arith.index_cast %swap3A_368 : i32 to index
      %swap3A_370 = arith.index_cast %mul3A_10 : i32 to index
      %swap3A_371 = tpu.vector_load %arg9[%swap3A_369, %swap3A_370] {strides = array<i32>} : memref<16x512xf32, #tpu.memory_space<vmem>>, vector<16xf32>,
      tpu.vector_store %arg9[%swap3A_369, %swap3A_370], %select_n3A_367 {strides = array<i32>} : memref<16x512xf32, #tpu.memory_space<vmem>>, vector<16xf32>,
      %eq3A_372 = arith.constant 1 : i32
      %eq3A_373 = vector.broadcast %eq3A_372 : i32 to vector<16xi32>
      %eq3A_374 = arith.cmpi eq, %select_n3A_146, %eq3A_373 : vector<16xi32>
      %eq3A_375 = arith.constant 1 : i32
      %eq3A_376 = vector.broadcast %eq3A_375 : i32 to vector<16xi32>
      %eq3A_377 = arith.cmpi eq, %select_n3A_325, %eq3A_376 : vector<16xi32>
      %select_n3A_378 = arith.select %eq3A_377, %div3A_342, %broadcast_in_dim3A_359 : vector<16xi1>, vector<16xf32>
      %select_n3A_379 = arith.select %eq3A_374, %div3A_332, %select_n3A_378 : vector<16xi1>, vector<16xf32>
      %swap3A_380 = arith.constant 1 : i32
      %swap3A_381 = arith.index_cast %swap3A_380 : i32 to index
      %swap3A_382 = arith.index_cast %mul3A_10 : i32 to index
      %swap3A_383 = tpu.vector_load %arg9[%swap3A_381, %swap3A_382] {strides = array<i32>} : memref<16x512xf32, #tpu.memory_space<vmem>>, vector<16xf32>,
      tpu.vector_store %arg9[%swap3A_381, %swap3A_382], %select_n3A_379 {strides = array<i32>} : memref<16x512xf32, #tpu.memory_space<vmem>>, vector<16xf32>,
      %eq3A_384 = arith.constant 2 : i32
      %eq3A_385 = vector.broadcast %eq3A_384 : i32 to vector<16xi32>
      %eq3A_386 = arith.cmpi eq, %select_n3A_146, %eq3A_385 : vector<16xi32>
      %eq3A_387 = arith.constant 2 : i32
      %eq3A_388 = vector.broadcast %eq3A_387 : i32 to vector<16xi32>
      %eq3A_389 = arith.cmpi eq, %select_n3A_325, %eq3A_388 : vector<16xi32>
      %select_n3A_390 = arith.select %eq3A_389, %div3A_342, %broadcast_in_dim3A_359 : vector<16xi1>, vector<16xf32>
      %select_n3A_391 = arith.select %eq3A_386, %div3A_332, %select_n3A_390 : vector<16xi1>, vector<16xf32>
      %swap3A_392 = arith.constant 2 : i32
      %swap3A_393 = arith.index_cast %swap3A_392 : i32 to index
      %swap3A_394 = arith.index_cast %mul3A_10 : i32 to index
      %swap3A_395 = tpu.vector_load %arg9[%swap3A_393, %swap3A_394] {strides = array<i32>} : memref<16x512xf32, #tpu.memory_space<vmem>>, vector<16xf32>,
      tpu.vector_store %arg9[%swap3A_393, %swap3A_394], %select_n3A_391 {strides = array<i32>} : memref<16x512xf32, #tpu.memory_space<vmem>>, vector<16xf32>,
      %eq3A_396 = arith.constant 3 : i32
      %eq3A_397 = vector.broadcast %eq3A_396 : i32 to vector<16xi32>
      %eq3A_398 = arith.cmpi eq, %select_n3A_146, %eq3A_397 : vector<16xi32>
      %eq3A_399 = arith.constant 3 : i32
      %eq3A_400 = vector.broadcast %eq3A_399 : i32 to vector<16xi32>
      %eq3A_401 = arith.cmpi eq, %select_n3A_325, %eq3A_400 : vector<16xi32>
      %select_n3A_402 = arith.select %eq3A_401, %div3A_342, %broadcast_in_dim3A_359 : vector<16xi1>, vector<16xf32>
      %select_n3A_403 = arith.select %eq3A_398, %div3A_332, %select_n3A_402 : vector<16xi1>, vector<16xf32>
      %swap3A_404 = arith.constant 3 : i32
      %swap3A_405 = arith.index_cast %swap3A_404 : i32 to index
      %swap3A_406 = arith.index_cast %mul3A_10 : i32 to index
      %swap3A_407 = tpu.vector_load %arg9[%swap3A_405, %swap3A_406] {strides = array<i32>} : memref<16x512xf32, #tpu.memory_space<vmem>>, vector<16xf32>,
      tpu.vector_store %arg9[%swap3A_405, %swap3A_406], %select_n3A_403 {strides = array<i32>} : memref<16x512xf32, #tpu.memory_space<vmem>>, vector<16xf32>,
      %eq3A_408 = arith.constant 4 : i32
      %eq3A_409 = vector.broadcast %eq3A_408 : i32 to vector<16xi32>
      %eq3A_410 = arith.cmpi eq, %select_n3A_146, %eq3A_409 : vector<16xi32>
      %eq3A_411 = arith.constant 4 : i32
      %eq3A_412 = vector.broadcast %eq3A_411 : i32 to vector<16xi32>
      %eq3A_413 = arith.cmpi eq, %select_n3A_325, %eq3A_412 : vector<16xi32>
      %select_n3A_414 = arith.select %eq3A_413, %div3A_342, %broadcast_in_dim3A_359 : vector<16xi1>, vector<16xf32>
      %select_n3A_415 = arith.select %eq3A_410, %div3A_332, %select_n3A_414 : vector<16xi1>, vector<16xf32>
      %swap3A_416 = arith.constant 4 : i32
      %swap3A_417 = arith.index_cast %swap3A_416 : i32 to index
      %swap3A_418 = arith.index_cast %mul3A_10 : i32 to index
      %swap3A_419 = tpu.vector_load %arg9[%swap3A_417, %swap3A_418] {strides = array<i32>} : memref<16x512xf32, #tpu.memory_space<vmem>>, vector<16xf32>,
      tpu.vector_store %arg9[%swap3A_417, %swap3A_418], %select_n3A_415 {strides = array<i32>} : memref<16x512xf32, #tpu.memory_space<vmem>>, vector<16xf32>,
      %eq3A_420 = arith.constant 5 : i32
      %eq3A_421 = vector.broadcast %eq3A_420 : i32 to vector<16xi32>
      %eq3A_422 = arith.cmpi eq, %select_n3A_146, %eq3A_421 : vector<16xi32>
      %eq3A_423 = arith.constant 5 : i32
      %eq3A_424 = vector.broadcast %eq3A_423 : i32 to vector<16xi32>
      %eq3A_425 = arith.cmpi eq, %select_n3A_325, %eq3A_424 : vector<16xi32>
      %select_n3A_426 = arith.select %eq3A_425, %div3A_342, %broadcast_in_dim3A_359 : vector<16xi1>, vector<16xf32>
      %select_n3A_427 = arith.select %eq3A_422, %div3A_332, %select_n3A_426 : vector<16xi1>, vector<16xf32>
      %swap3A_428 = arith.constant 5 : i32
      %swap3A_429 = arith.index_cast %swap3A_428 : i32 to index
      %swap3A_430 = arith.index_cast %mul3A_10 : i32 to index
      %swap3A_431 = tpu.vector_load %arg9[%swap3A_429, %swap3A_430] {strides = array<i32>} : memref<16x512xf32, #tpu.memory_space<vmem>>, vector<16xf32>,
      tpu.vector_store %arg9[%swap3A_429, %swap3A_430], %select_n3A_427 {strides = array<i32>} : memref<16x512xf32, #tpu.memory_space<vmem>>, vector<16xf32>,
      %eq3A_432 = arith.constant 6 : i32
      %eq3A_433 = vector.broadcast %eq3A_432 : i32 to vector<16xi32>
      %eq3A_434 = arith.cmpi eq, %select_n3A_146, %eq3A_433 : vector<16xi32>
      %eq3A_435 = arith.constant 6 : i32
      %eq3A_436 = vector.broadcast %eq3A_435 : i32 to vector<16xi32>
      %eq3A_437 = arith.cmpi eq, %select_n3A_325, %eq3A_436 : vector<16xi32>
      %select_n3A_438 = arith.select %eq3A_437, %div3A_342, %broadcast_in_dim3A_359 : vector<16xi1>, vector<16xf32>
      %select_n3A_439 = arith.select %eq3A_434, %div3A_332, %select_n3A_438 : vector<16xi1>, vector<16xf32>
      %swap3A_440 = arith.constant 6 : i32
      %swap3A_441 = arith.index_cast %swap3A_440 : i32 to index
      %swap3A_442 = arith.index_cast %mul3A_10 : i32 to index
      %swap3A_443 = tpu.vector_load %arg9[%swap3A_441, %swap3A_442] {strides = array<i32>} : memref<16x512xf32, #tpu.memory_space<vmem>>, vector<16xf32>,
      tpu.vector_store %arg9[%swap3A_441, %swap3A_442], %select_n3A_439 {strides = array<i32>} : memref<16x512xf32, #tpu.memory_space<vmem>>, vector<16xf32>,
      %eq3A_444 = arith.constant 7 : i32
      %eq3A_445 = vector.broadcast %eq3A_444 : i32 to vector<16xi32>
      %eq3A_446 = arith.cmpi eq, %select_n3A_146, %eq3A_445 : vector<16xi32>
      %eq3A_447 = arith.constant 7 : i32
      %eq3A_448 = vector.broadcast %eq3A_447 : i32 to vector<16xi32>
      %eq3A_449 = arith.cmpi eq, %select_n3A_325, %eq3A_448 : vector<16xi32>
      %select_n3A_450 = arith.select %eq3A_449, %div3A_342, %broadcast_in_dim3A_359 : vector<16xi1>, vector<16xf32>
      %select_n3A_451 = arith.select %eq3A_446, %div3A_332, %select_n3A_450 : vector<16xi1>, vector<16xf32>
      %swap3A_452 = arith.constant 7 : i32
      %swap3A_453 = arith.index_cast %swap3A_452 : i32 to index
      %swap3A_454 = arith.index_cast %mul3A_10 : i32 to index
      %swap3A_455 = tpu.vector_load %arg9[%swap3A_453, %swap3A_454] {strides = array<i32>} : memref<16x512xf32, #tpu.memory_space<vmem>>, vector<16xf32>,
      tpu.vector_store %arg9[%swap3A_453, %swap3A_454], %select_n3A_451 {strides = array<i32>} : memref<16x512xf32, #tpu.memory_space<vmem>>, vector<16xf32>,
      %eq3A_456 = arith.constant 8 : i32
      %eq3A_457 = vector.broadcast %eq3A_456 : i32 to vector<16xi32>
      %eq3A_458 = arith.cmpi eq, %select_n3A_146, %eq3A_457 : vector<16xi32>
      %eq3A_459 = arith.constant 8 : i32
      %eq3A_460 = vector.broadcast %eq3A_459 : i32 to vector<16xi32>
      %eq3A_461 = arith.cmpi eq, %select_n3A_325, %eq3A_460 : vector<16xi32>
      %select_n3A_462 = arith.select %eq3A_461, %div3A_342, %broadcast_in_dim3A_359 : vector<16xi1>, vector<16xf32>
      %select_n3A_463 = arith.select %eq3A_458, %div3A_332, %select_n3A_462 : vector<16xi1>, vector<16xf32>
      %swap3A_464 = arith.constant 8 : i32
      %swap3A_465 = arith.index_cast %swap3A_464 : i32 to index
      %swap3A_466 = arith.index_cast %mul3A_10 : i32 to index
      %swap3A_467 = tpu.vector_load %arg9[%swap3A_465, %swap3A_466] {strides = array<i32>} : memref<16x512xf32, #tpu.memory_space<vmem>>, vector<16xf32>,
      tpu.vector_store %arg9[%swap3A_465, %swap3A_466], %select_n3A_463 {strides = array<i32>} : memref<16x512xf32, #tpu.memory_space<vmem>>, vector<16xf32>,
      %eq3A_468 = arith.constant 9 : i32
      %eq3A_469 = vector.broadcast %eq3A_468 : i32 to vector<16xi32>
      %eq3A_470 = arith.cmpi eq, %select_n3A_146, %eq3A_469 : vector<16xi32>
      %eq3A_471 = arith.constant 9 : i32
      %eq3A_472 = vector.broadcast %eq3A_471 : i32 to vector<16xi32>
      %eq3A_473 = arith.cmpi eq, %select_n3A_325, %eq3A_472 : vector<16xi32>
      %select_n3A_474 = arith.select %eq3A_473, %div3A_342, %broadcast_in_dim3A_359 : vector<16xi1>, vector<16xf32>
      %select_n3A_475 = arith.select %eq3A_470, %div3A_332, %select_n3A_474 : vector<16xi1>, vector<16xf32>
      %swap3A_476 = arith.constant 9 : i32
      %swap3A_477 = arith.index_cast %swap3A_476 : i32 to index
      %swap3A_478 = arith.index_cast %mul3A_10 : i32 to index
      %swap3A_479 = tpu.vector_load %arg9[%swap3A_477, %swap3A_478] {strides = array<i32>} : memref<16x512xf32, #tpu.memory_space<vmem>>, vector<16xf32>,
      tpu.vector_store %arg9[%swap3A_477, %swap3A_478], %select_n3A_475 {strides = array<i32>} : memref<16x512xf32, #tpu.memory_space<vmem>>, vector<16xf32>,
      %eq3A_480 = arith.constant 10 : i32
      %eq3A_481 = vector.broadcast %eq3A_480 : i32 to vector<16xi32>
      %eq3A_482 = arith.cmpi eq, %select_n3A_146, %eq3A_481 : vector<16xi32>
      %eq3A_483 = arith.constant 10 : i32
      %eq3A_484 = vector.broadcast %eq3A_483 : i32 to vector<16xi32>
      %eq3A_485 = arith.cmpi eq, %select_n3A_325, %eq3A_484 : vector<16xi32>
      %select_n3A_486 = arith.select %eq3A_485, %div3A_342, %broadcast_in_dim3A_359 : vector<16xi1>, vector<16xf32>
      %select_n3A_487 = arith.select %eq3A_482, %div3A_332, %select_n3A_486 : vector<16xi1>, vector<16xf32>
      %swap3A_488 = arith.constant 10 : i32
      %swap3A_489 = arith.index_cast %swap3A_488 : i32 to index
      %swap3A_490 = arith.index_cast %mul3A_10 : i32 to index
      %swap3A_491 = tpu.vector_load %arg9[%swap3A_489, %swap3A_490] {strides = array<i32>} : memref<16x512xf32, #tpu.memory_space<vmem>>, vector<16xf32>,
      tpu.vector_store %arg9[%swap3A_489, %swap3A_490], %select_n3A_487 {strides = array<i32>} : memref<16x512xf32, #tpu.memory_space<vmem>>, vector<16xf32>,
      %eq3A_492 = arith.constant 11 : i32
      %eq3A_493 = vector.broadcast %eq3A_492 : i32 to vector<16xi32>
      %eq3A_494 = arith.cmpi eq, %select_n3A_146, %eq3A_493 : vector<16xi32>
      %eq3A_495 = arith.constant 11 : i32
      %eq3A_496 = vector.broadcast %eq3A_495 : i32 to vector<16xi32>
      %eq3A_497 = arith.cmpi eq, %select_n3A_325, %eq3A_496 : vector<16xi32>
      %select_n3A_498 = arith.select %eq3A_497, %div3A_342, %broadcast_in_dim3A_359 : vector<16xi1>, vector<16xf32>
      %select_n3A_499 = arith.select %eq3A_494, %div3A_332, %select_n3A_498 : vector<16xi1>, vector<16xf32>
      %swap3A_500 = arith.constant 11 : i32
      %swap3A_501 = arith.index_cast %swap3A_500 : i32 to index
      %swap3A_502 = arith.index_cast %mul3A_10 : i32 to index
      %swap3A_503 = tpu.vector_load %arg9[%swap3A_501, %swap3A_502] {strides = array<i32>} : memref<16x512xf32, #tpu.memory_space<vmem>>, vector<16xf32>,
      tpu.vector_store %arg9[%swap3A_501, %swap3A_502], %select_n3A_499 {strides = array<i32>} : memref<16x512xf32, #tpu.memory_space<vmem>>, vector<16xf32>,
      %eq3A_504 = arith.constant 12 : i32
      %eq3A_505 = vector.broadcast %eq3A_504 : i32 to vector<16xi32>
      %eq3A_506 = arith.cmpi eq, %select_n3A_146, %eq3A_505 : vector<16xi32>
      %eq3A_507 = arith.constant 12 : i32
      %eq3A_508 = vector.broadcast %eq3A_507 : i32 to vector<16xi32>
      %eq3A_509 = arith.cmpi eq, %select_n3A_325, %eq3A_508 : vector<16xi32>
      %select_n3A_510 = arith.select %eq3A_509, %div3A_342, %broadcast_in_dim3A_359 : vector<16xi1>, vector<16xf32>
      %select_n3A_511 = arith.select %eq3A_506, %div3A_332, %select_n3A_510 : vector<16xi1>, vector<16xf32>
      %swap3A_512 = arith.constant 12 : i32
      %swap3A_513 = arith.index_cast %swap3A_512 : i32 to index
      %swap3A_514 = arith.index_cast %mul3A_10 : i32 to index
      %swap3A_515 = tpu.vector_load %arg9[%swap3A_513, %swap3A_514] {strides = array<i32>} : memref<16x512xf32, #tpu.memory_space<vmem>>, vector<16xf32>,
      tpu.vector_store %arg9[%swap3A_513, %swap3A_514], %select_n3A_511 {strides = array<i32>} : memref<16x512xf32, #tpu.memory_space<vmem>>, vector<16xf32>,
      %eq3A_516 = arith.constant 13 : i32
      %eq3A_517 = vector.broadcast %eq3A_516 : i32 to vector<16xi32>
      %eq3A_518 = arith.cmpi eq, %select_n3A_146, %eq3A_517 : vector<16xi32>
      %eq3A_519 = arith.constant 13 : i32
      %eq3A_520 = vector.broadcast %eq3A_519 : i32 to vector<16xi32>
      %eq3A_521 = arith.cmpi eq, %select_n3A_325, %eq3A_520 : vector<16xi32>
      %select_n3A_522 = arith.select %eq3A_521, %div3A_342, %broadcast_in_dim3A_359 : vector<16xi1>, vector<16xf32>
      %select_n3A_523 = arith.select %eq3A_518, %div3A_332, %select_n3A_522 : vector<16xi1>, vector<16xf32>
      %swap3A_524 = arith.constant 13 : i32
      %swap3A_525 = arith.index_cast %swap3A_524 : i32 to index
      %swap3A_526 = arith.index_cast %mul3A_10 : i32 to index
      %swap3A_527 = tpu.vector_load %arg9[%swap3A_525, %swap3A_526] {strides = array<i32>} : memref<16x512xf32, #tpu.memory_space<vmem>>, vector<16xf32>,
      tpu.vector_store %arg9[%swap3A_525, %swap3A_526], %select_n3A_523 {strides = array<i32>} : memref<16x512xf32, #tpu.memory_space<vmem>>, vector<16xf32>,
      %eq3A_528 = arith.constant 14 : i32
      %eq3A_529 = vector.broadcast %eq3A_528 : i32 to vector<16xi32>
      %eq3A_530 = arith.cmpi eq, %select_n3A_146, %eq3A_529 : vector<16xi32>
      %eq3A_531 = arith.constant 14 : i32
      %eq3A_532 = vector.broadcast %eq3A_531 : i32 to vector<16xi32>
      %eq3A_533 = arith.cmpi eq, %select_n3A_325, %eq3A_532 : vector<16xi32>
      %select_n3A_534 = arith.select %eq3A_533, %div3A_342, %broadcast_in_dim3A_359 : vector<16xi1>, vector<16xf32>
      %select_n3A_535 = arith.select %eq3A_530, %div3A_332, %select_n3A_534 : vector<16xi1>, vector<16xf32>
      %swap3A_536 = arith.constant 14 : i32
      %swap3A_537 = arith.index_cast %swap3A_536 : i32 to index
      %swap3A_538 = arith.index_cast %mul3A_10 : i32 to index
      %swap3A_539 = tpu.vector_load %arg9[%swap3A_537, %swap3A_538] {strides = array<i32>} : memref<16x512xf32, #tpu.memory_space<vmem>>, vector<16xf32>,
      tpu.vector_store %arg9[%swap3A_537, %swap3A_538], %select_n3A_535 {strides = array<i32>} : memref<16x512xf32, #tpu.memory_space<vmem>>, vector<16xf32>,
      %eq3A_540 = arith.constant 15 : i32
      %eq3A_541 = vector.broadcast %eq3A_540 : i32 to vector<16xi32>
      %eq3A_542 = arith.cmpi eq, %select_n3A_146, %eq3A_541 : vector<16xi32>
      %eq3A_543 = arith.constant 15 : i32
      %eq3A_544 = vector.broadcast %eq3A_543 : i32 to vector<16xi32>
      %eq3A_545 = arith.cmpi eq, %select_n3A_325, %eq3A_544 : vector<16xi32>
      %select_n3A_546 = arith.select %eq3A_545, %div3A_342, %broadcast_in_dim3A_359 : vector<16xi1>, vector<16xf32>
      %select_n3A_547 = arith.select %eq3A_542, %div3A_332, %select_n3A_546 : vector<16xi1>, vector<16xf32>
      %swap3A_548 = arith.constant 15 : i32
      %swap3A_549 = arith.index_cast %swap3A_548 : i32 to index
      %swap3A_550 = arith.index_cast %mul3A_10 : i32 to index
      %swap3A_551 = tpu.vector_load %arg9[%swap3A_549, %swap3A_550] {strides = array<i32>} : memref<16x512xf32, #tpu.memory_space<vmem>>, vector<16xf32>,
      tpu.vector_store %arg9[%swap3A_549, %swap3A_550], %select_n3A_547 {strides = array<i32>} : memref<16x512xf32, #tpu.memory_space<vmem>>, vector<16xf32>,
    }
    %scan3A_7 = arith.constant 32 : i32
    "tpu.region"() ({
      %run_scoped3A = tpu.sem_alloc : memref<!tpu.dma_semaphore, #tpu.memory_space<semaphore_mem>>
      %dma_start3A = arith.constant 0 : i32
      %dma_start3A_8 = tpu.memref_slice %arg3[%dma_start3A, %mul3A_2] : memref<2x16384xf32, #tpu.memory_space<hbm>> -> memref<2x512xf32, #tpu.memory_space<hbm>>
      %dma_start3A_9 = arith.constant 0 : i32
      %dma_start3A_10 = tpu.memref_slice %arg3[%dma_start3A_9, %mul3A_2] : memref<2x16384xf32, #tpu.memory_space<hbm>> -> memref<2x512xf32, #tpu.memory_space<hbm>>
      tpu.enqueue_dma source(%arg7 : memref<2x512xf32, #tpu.memory_space<vmem>>) target(%dma_start3A_10 : memref<2x512xf32, #tpu.memory_space<hbm>>) target_semaphore(%run_scoped3A : memref<!tpu.dma_semaphore, #tpu.memory_space<semaphore_mem>>)
      %dma_wait3A = arith.constant 0 : i32
      %dma_wait3A_11 = tpu.memref_slice %arg3[%dma_wait3A, %mul3A_2] : memref<2x16384xf32, #tpu.memory_space<hbm>> -> memref<2x512xf32, #tpu.memory_space<hbm>>
      %dma_wait3A_12 = arith.constant 0 : i32
      %dma_wait3A_13 = tpu.memref_slice %arg3[%dma_wait3A_12, %mul3A_2] : memref<2x16384xf32, #tpu.memory_space<hbm>> -> memref<2x512xf32, #tpu.memory_space<hbm>>
      tpu.wait_dma2 semaphore(%run_scoped3A : memref<!tpu.dma_semaphore, #tpu.memory_space<semaphore_mem>>) src(%arg7 : memref<2x512xf32, #tpu.memory_space<vmem>>) dst(%dma_wait3A_13 : memref<2x512xf32, #tpu.memory_space<hbm>>)
      tpu.yield
    }) : () -> ()
    "tpu.region"() ({
      %run_scoped3A = tpu.sem_alloc : memref<!tpu.dma_semaphore, #tpu.memory_space<semaphore_mem>>
      %dma_start3A = arith.constant 0 : i32
      %dma_start3A_8 = tpu.memref_slice %arg4[%dma_start3A, %mul3A_2] : memref<2x16384xi32, #tpu.memory_space<hbm>> -> memref<2x512xi32, #tpu.memory_space<hbm>>
      %dma_start3A_9 = arith.constant 0 : i32
      %dma_start3A_10 = tpu.memref_slice %arg4[%dma_start3A_9, %mul3A_2] : memref<2x16384xi32, #tpu.memory_space<hbm>> -> memref<2x512xi32, #tpu.memory_space<hbm>>
      tpu.enqueue_dma source(%arg8 : memref<2x512xi32, #tpu.memory_space<vmem>>) target(%dma_start3A_10 : memref<2x512xi32, #tpu.memory_space<hbm>>) target_semaphore(%run_scoped3A : memref<!tpu.dma_semaphore, #tpu.memory_space<semaphore_mem>>)
      %dma_wait3A = arith.constant 0 : i32
      %dma_wait3A_11 = tpu.memref_slice %arg4[%dma_wait3A, %mul3A_2] : memref<2x16384xi32, #tpu.memory_space<hbm>> -> memref<2x512xi32, #tpu.memory_space<hbm>>
      %dma_wait3A_12 = arith.constant 0 : i32
      %dma_wait3A_13 = tpu.memref_slice %arg4[%dma_wait3A_12, %mul3A_2] : memref<2x16384xi32, #tpu.memory_space<hbm>> -> memref<2x512xi32, #tpu.memory_space<hbm>>
      tpu.wait_dma2 semaphore(%run_scoped3A : memref<!tpu.dma_semaphore, #tpu.memory_space<semaphore_mem>>) src(%arg8 : memref<2x512xi32, #tpu.memory_space<vmem>>) dst(%dma_wait3A_13 : memref<2x512xi32, #tpu.memory_space<hbm>>)
      tpu.yield
    }) : () -> ()
    "tpu.region"() ({
      %run_scoped3A = tpu.sem_alloc : memref<!tpu.dma_semaphore, #tpu.memory_space<semaphore_mem>>
      %dma_start3A = arith.constant 0 : i32
      %dma_start3A_8 = tpu.memref_slice %arg5[%dma_start3A, %mul3A_2] : memref<16x16384xf32, #tpu.memory_space<hbm>> -> memref<16x512xf32, #tpu.memory_space<hbm>>
      %dma_start3A_9 = arith.constant 0 : i32
      %dma_start3A_10 = tpu.memref_slice %arg5[%dma_start3A_9, %mul3A_2] : memref<16x16384xf32, #tpu.memory_space<hbm>> -> memref<16x512xf32, #tpu.memory_space<hbm>>
      tpu.enqueue_dma source(%arg9 : memref<16x512xf32, #tpu.memory_space<vmem>>) target(%dma_start3A_10 : memref<16x512xf32, #tpu.memory_space<hbm>>) target_semaphore(%run_scoped3A : memref<!tpu.dma_semaphore, #tpu.memory_space<semaphore_mem>>)
      %dma_wait3A = arith.constant 0 : i32
      %dma_wait3A_11 = tpu.memref_slice %arg5[%dma_wait3A, %mul3A_2] : memref<16x16384xf32, #tpu.memory_space<hbm>> -> memref<16x512xf32, #tpu.memory_space<hbm>>
      %dma_wait3A_12 = arith.constant 0 : i32
      %dma_wait3A_13 = tpu.memref_slice %arg5[%dma_wait3A_12, %mul3A_2] : memref<16x16384xf32, #tpu.memory_space<hbm>> -> memref<16x512xf32, #tpu.memory_space<hbm>>
      tpu.wait_dma2 semaphore(%run_scoped3A : memref<!tpu.dma_semaphore, #tpu.memory_space<semaphore_mem>>) src(%arg9 : memref<16x512xf32, #tpu.memory_space<vmem>>) dst(%dma_wait3A_13 : memref<16x512xf32, #tpu.memory_space<hbm>>)
      tpu.yield
    }) : () -> ()
    return
  }
}

module attributes {stable_mosaic.version = 14 : i64} {
  func.func @_proj_body(%arg0: i32, %arg1: memref<1024x1024xf32, #tpu.memory_space<vmem>>, %arg2: memref<1024x1024xf32, #tpu.memory_space<vmem>>, %arg3: memref<1024x16xf32, #tpu.memory_space<vmem>>, %arg4: memref<1024x16xf32, #tpu.memory_space<vmem>>, %arg5: memref<1x16xf32, #tpu.memory_space<vmem>>, %arg6: memref<16x1024xf32, #tpu.memory_space<vmem>>) attributes {dimension_semantics = [#tpu.dimension_semantics<arbitrary>], iteration_bounds = array<i64: 16>, scalar_prefetch = 0 : i64, scratch_operands = 0 : i64, tpu.core_type = #tpu.core_type<tc>, window_params = [{transform_indices = @transform_0, window_bounds = array<i64: 1024, 1024>}, {transform_indices = @transform_1, window_bounds = array<i64: 1024, 1024>}, {transform_indices = @transform_2, window_bounds = array<i64: 1024, 16>}, {transform_indices = @transform_3, window_bounds = array<i64: 1024, 16>}, {pipeline_mode = #tpu.pipeline_mode<synchronous>, transform_indices = @transform_4, window_bounds = array<i64: 1, 16>}, {transform_indices = @transform_5, window_bounds = array<i64: 16, 1024>}]} {
    %get3A = arith.constant 0 : index
    %get3A_0 = arith.constant 0 : index
    %get3A_1 = vector.load %arg5[%get3A, %get3A_0] : memref<1x16xf32, #tpu.memory_space<vmem>>, vector<1x16xf32>
    %get3A_2 = arith.constant 0 : index
    %get3A_3 = arith.constant 0 : index
    %get3A_4 = vector.load %arg1[%get3A_2, %get3A_3] : memref<1024x1024xf32, #tpu.memory_space<vmem>>, vector<1024x1024xf32>
    %get3A_5 = arith.constant 0 : index
    %get3A_6 = arith.constant 0 : index
    %get3A_7 = vector.load %arg3[%get3A_5, %get3A_6] : memref<1024x16xf32, #tpu.memory_space<vmem>>, vector<1024x16xf32>
    %dot_general3A = arith.constant dense<0.000000e+00> : vector<1024x16xf32>
    %dot_general3A_8 = tpu.matmul %get3A_4, %get3A_7, %dot_general3A {dimension_numbers = #tpu.dot_dimension_numbers<[1], [0], [0], [1], [0, 0, 1, 1], [], []>, transpose_lhs_hint = false} : vector<1024x1024xf32>, vector<1024x16xf32>, vector<1024x16xf32> -> vector<1024x16xf32>
    %add3A = vector.broadcast %get3A_1 : vector<1x16xf32> to vector<1024x16xf32>
    %add3A_9 = arith.addf %add3A, %dot_general3A_8 : vector<1024x16xf32>
    %get3A_10 = arith.constant 0 : index
    %get3A_11 = arith.constant 0 : index
    %get3A_12 = vector.load %arg2[%get3A_10, %get3A_11] : memref<1024x1024xf32, #tpu.memory_space<vmem>>, vector<1024x1024xf32>
    %get3A_13 = arith.constant 0 : index
    %get3A_14 = arith.constant 0 : index
    %get3A_15 = vector.load %arg4[%get3A_13, %get3A_14] : memref<1024x16xf32, #tpu.memory_space<vmem>>, vector<1024x16xf32>
    %dot_general3A_16 = arith.constant dense<0.000000e+00> : vector<1024x16xf32>
    %dot_general3A_17 = tpu.matmul %get3A_12, %get3A_15, %dot_general3A_16 {dimension_numbers = #tpu.dot_dimension_numbers<[1], [0], [0], [1], [0, 0, 1, 1], [], []>, transpose_lhs_hint = false} : vector<1024x1024xf32>, vector<1024x16xf32>, vector<1024x16xf32> -> vector<1024x16xf32>
    %add3A_18 = arith.addf %add3A_9, %dot_general3A_17 : vector<1024x16xf32>
    %transpose3A = tpu.transpose %add3A_18, [1, 0] : vector<1024x16xf32> -> vector<16x1024xf32>
    %swap3A = arith.constant 0 : index
    %swap3A_19 = arith.constant 0 : index
    %swap3A_20 = vector.load %arg6[%swap3A, %swap3A_19] : memref<16x1024xf32, #tpu.memory_space<vmem>>, vector<16x1024xf32>
    tpu.vector_store %arg6[%swap3A, %swap3A_19], %transpose3A {strides = array<i32>} : memref<16x1024xf32, #tpu.memory_space<vmem>>, vector<16x1024xf32>,
    return
  }
  func.func @transform_0(%arg0: i32) -> (i32, i32) {
    %c0_i32 = arith.constant 0 : i32
    %c0_i32_0 = arith.constant 0 : i32
    return %arg0, %c0_i32 : i32, i32
  }
  func.func @transform_1(%arg0: i32) -> (i32, i32) {
    %c1_i32 = arith.constant 1 : i32
    %c0_i32 = arith.constant 0 : i32
    return %arg0, %c1_i32 : i32, i32
  }
  func.func @transform_2(%arg0: i32) -> (i32, i32) {
    %c0_i32 = arith.constant 0 : i32
    %c0_i32_0 = arith.constant 0 : i32
    %c0_i32_1 = arith.constant 0 : i32
    return %c0_i32, %c0_i32_0 : i32, i32
  }
  func.func @transform_3(%arg0: i32) -> (i32, i32) {
    %c1_i32 = arith.constant 1 : i32
    %c0_i32 = arith.constant 0 : i32
    %c0_i32_0 = arith.constant 0 : i32
    return %c1_i32, %c0_i32 : i32, i32
  }
  func.func @transform_4(%arg0: i32) -> (i32, i32) {
    %c0_i32 = arith.constant 0 : i32
    %c0_i32_0 = arith.constant 0 : i32
    %c0_i32_1 = arith.constant 0 : i32
    return %c0_i32, %c0_i32_0 : i32, i32
  }
  func.func @transform_5(%arg0: i32) -> (i32, i32) {
    %c0_i32 = arith.constant 0 : i32
    %c0_i32_0 = arith.constant 0 : i32
    return %c0_i32, %arg0 : i32, i32
  }
}

</mosaic_0001>

<sc_bundles>
// kernel: kernel.4.cloned.1.call-start
scs
__scs_entry_jumppad:
0x0: {  	(pc) =	sbr.rel $0x88, $3  }
0x1: {  	(tag) =	ssettag $0x0;
	lr =	simm.s32 $0x1  }
0x2: {  	[smem:$0x3F9E] =	sst lr;
	_ =	strace $0xD0000000  }
0x3: {  	_ = 	snop  }
0x4: {  	_ = 	snop  }
0x5: {  	_ = 	snop  }
0x6: {  	_ = 	snop  }
0x7: {  	_ = 	snop  }
__scs_overlays_trampoline_lowered:
0x8: {  	[smem:$0x3FAD] =	sst s0  }
0x9: {  	[smem:$0x3FAE] =	sst s1  }
0xa: {  	[smem:$0x3FAF] =	sst s2  }
0xb: {  	[smem:$0x3FB0] =	sst s3  }
0xc: {  	[smem:$0x3FB1] =	sst s4  }
0xd: {  	[smem:$0x3FB2] =	sst s5  }
0xe: {  	[smem:$0x3FB3] =	sst s6  }
0xf: {  	[smem:$0x3FB4] =	sst s7  }
0x10: {  	[smem:$0x3FB5] =	sst s8  }
0x11: {  	[smem:$0x3FB6] =	sst s9;
	s0 =	simm.s32 @!p0 $0x0  }
0x12: {  	s1 =	sld [smem:$0x3F9C];
	s0 =	simm.s32 @p0 $0x1  }
0x13: {  	[smem:$0x3FB7] =	sst s0;
	s0 =	simm.s32 @!p1 $0x0  }
0x14: {  	s2 =	sld [smem:$0x3F9B];
	s0 =	simm.s32 @p1 $0x1  }
0x15: {  	[smem:$0x3FB8] =	sst s0;
	s0 =	simm.s32 @!p2 $0x0  }
0x16: {  	s3 =	sld [smem:$0x3FDB];
	s0 =	simm.s32 @p2 $0x1  }
0x17: {  	s4 =	simm.s32 $0x1BF5;
	[smem:$0x3FBA] =	sst s0  }
0x18: {  	s0 =	sld [smem:$0x3F9D];
	_ =	swait.ge [sflag:s4], $0x0  }
0x19: {  	s7 =	sld [smem:$0x3F9E]  }
0x1a: {  	s8 =	sadd.s32 $0xFFFFE003, lr  }
0x1b: {  	s9 =	sadd.s32 $0xFFFFFEF7, lr;
	s5 =	simm.s32 $0xFFFFFFFF;
	p2 =	slt.u32 s8, $0xFFFFF086  }
0x1c: {  	p1 =	slt.u32 s9, $0xF7A;
	s5 =	simm.s32 @!p2 $0x0  }
0x1d: {  	s5 =	simm.s32 @p1 $0x1;
	p0 =	seq.s32 s7, s2  }
0x1e: {  	s7 =	smul.u32 @!p0 $0xF7A, s2;
	p2 =	seq.s32 @!p0 s5, $0x0  }
0x1f: {  	s9 =	smul.u32 $0xF7A, s1;
	s8 =	simm.s32 @!p0 $0x1BF5;
	p2 =	por !p2, p0  }
0x20: {  	[sflag:s8] =	ssyncset.s32 @!p0 $0xFFFFF086;
	s6 =	sadd.s32 @!p0 s3, s7;
	s7 =	simm.s32 @!p0 $0x108  }
0x21: {  	s3 =	sadd.s32 s3, s9;
	s6 =	sadd.s32 @!p0 $0x88, s6;
	s7 =	simm.s32 @p2 $0x1082  }
0x22: {  	[simem:s7], [sflag:s8] =	dma.local @!p0 [hbm:s6], $0xF7A  }
0x23: {  	s9 =	sor.u32 $0xD0000000, s2;
	s6 =	simm.s32 $0x108;
	_ =	swait.ge @!p0 [sflag:s8], $0x0  }
0x24: {  	s3 =	sadd.s32 $0x88, s3;
	s6 =	simm.s32 @!p1 $0x1082;
	[sflag:s4] =	ssyncset.s32 $0xFFFFF086  }
0x25: {  	[simem:s6], [sflag:s4] =	dma.local [hbm:s3], $0xF7A  }
0x26: {  	[smem:$0x3F9E] =	sst s1;
	(tag) =	ssettag s2;
	_ =	strace s9  }
0x27: {  	s1 =	sld [smem:$0x3FAE]  }
0x28: {  	s2 =	sld [smem:$0x3FAF]  }
0x29: {  	s4 =	sld [smem:$0x3FB1]  }
0x2a: {  	p0 =	seq.s32 s5, $0x0;
	s5 =	sld [smem:$0x3FB2]  }
0x2b: {  	s6 =	sld [smem:$0x3FB3]  }
0x2c: {  	s7 =	sld [smem:$0x3FB4]  }
0x2d: {  	s3 =	simm.s32 $0x108;
	s8 =	sld [smem:$0x3FB5]  }
0x2e: {  	s3 =	simm.s32 @!p0 $0x1082;
	s9 =	sld [smem:$0x3FB6]  }
0x2f: {  	lr =	sadd.s32 s0, s3;
	s0 =	sld [smem:$0x3FAD]  }
0x30: {  	s3 =	sld [smem:$0x3FB0]  }
0x31: {  	[smem:$0x3FB9] =	sst s10  }
0x32: {  	s10 =	sld [smem:$0x3FB7];
	_ =	sdelay $0x3  }
0x33: {  	p0 =	seq.s32 s10, $0x1;
	s10 =	sld [smem:$0x3FB9];
	_ =	sdelay $0x3  }
0x34: {  	[smem:$0x3FB9] =	sst s10  }
0x35: {  	s10 =	sld [smem:$0x3FB8];
	_ =	sdelay $0x3  }
0x36: {  	p1 =	seq.s32 s10, $0x1;
	s10 =	sld [smem:$0x3FB9];
	_ =	sdelay $0x3  }
0x37: {  	[smem:$0x3FB9] =	sst s10  }
0x38: {  	s10 =	sld [smem:$0x3FBA]  }
0x39: {  	_ = 	snop;
	(pc) =	sbr.ind lr, $3  }
0x3a: {  	_ = 	snop  }
0x3b: {  	_ = 	snop  }
0x3c: {  	p2 =	seq.s32 s10, $0x1;
	s10 =	sld [smem:$0x3FB9]  }
0x3d: {  	_ =	shalt  }
0x3e: {  	_ =	shalt  }
0x3f: {  	_ =	shalt  }
0x40: {  	_ =	shalt  }
0x41: {  	_ =	shalt  }
0x42: {  	_ =	shalt  }
0x43: {  	_ =	shalt  }
0x44: {  	_ =	shalt  }
0x45: {  	_ =	shalt  }
0x46: {  	_ =	shalt  }
0x47: {  	_ =	shalt  }
0x48: {  	_ =	shalt  }
0x49: {  	_ =	shalt  }
0x4a: {  	_ =	shalt  }
0x4b: {  	_ =	shalt  }
0x4c: {  	_ =	shalt  }
0x4d: {  	_ =	shalt  }
0x4e: {  	_ =	shalt  }
0x4f: {  	_ =	shalt  }
0x50: {  	_ =	shalt  }
0x51: {  	_ =	shalt  }
0x52: {  	_ =	shalt  }
0x53: {  	_ =	shalt  }
0x54: {  	_ =	shalt  }
0x55: {  	_ =	shalt  }
0x56: {  	_ =	shalt  }
0x57: {  	_ =	shalt  }
0x58: {  	_ =	shalt  }
0x59: {  	_ =	shalt  }
0x5a: {  	_ =	shalt  }
0x5b: {  	_ =	shalt  }
0x5c: {  	_ =	shalt  }
0x5d: {  	_ =	shalt  }
0x5e: {  	_ =	shalt  }
0x5f: {  	_ =	shalt  }
0x60: {  	_ =	shalt  }
0x61: {  	_ =	shalt  }
0x62: {  	_ =	shalt  }
0x63: {  	_ =	shalt  }
0x64: {  	_ =	shalt  }
0x65: {  	_ =	shalt  }
0x66: {  	_ =	shalt  }
0x67: {  	_ =	shalt  }
0x68: {  	_ =	shalt  }
0x69: {  	_ =	shalt  }
0x6a: {  	_ =	shalt  }
0x6b: {  	_ =	shalt  }
0x6c: {  	_ =	shalt  }
0x6d: {  	_ =	shalt  }
0x6e: {  	_ =	shalt  }
0x6f: {  	_ =	shalt  }
0x70: {  	_ =	shalt  }
0x71: {  	_ =	shalt  }
0x72: {  	_ =	shalt  }
0x73: {  	_ =	shalt  }
0x74: {  	_ =	shalt  }
0x75: {  	_ =	shalt  }
0x76: {  	_ =	shalt  }
0x77: {  	_ =	shalt  }
0x78: {  	_ =	shalt  }
0x79: {  	_ =	shalt  }
0x7a: {  	_ =	shalt  }
0x7b: {  	_ =	shalt  }
0x7c: {  	_ =	shalt  }
0x7d: {  	_ =	shalt  }
0x7e: {  	_ =	shalt  }
0x7f: {  	_ =	shalt  }
0x80: {  	_ =	shalt  }
0x81: {  	_ =	shalt  }
0x82: {  	_ =	shalt  }
0x83: {  	_ =	shalt  }
0x84: {  	_ =	shalt  }
0x85: {  	_ =	shalt  }
0x86: {  	_ =	shalt  }
0x87: {  	_ =	shalt  }
.Lfunc_end0:
.L_simem_size_0:
called_computation_lowered:
.L_overlay_start_0:
0x88: {  	s2 =	sld [smem:$0x3FD9]  }
0x89: {  	s3 =	sld [smem:$0x3FFE];
	_ =	sdelay $0x1  }
0x8a: {  	s1 =	srdreg.scid  }
0x8b: {  	s0 =	sand.u32 $0x1, s1  }
0x8c: {  	s14 =	sshll.u32 s0, $0xA;
	s2 =	sadd.s32 s3, s2  }
0x8d: {  	s2 =	sadd.s32 s2, s14  }
0x8e: {  	[smem:$0x3FC5] =	sst s2  }
0x8f: {  	_ = 	snop  }
0x90: {  	s2 =	sld [smem:$0x3FD0];
	_ =	sdelay $0x2  }
0x91: {  	s15 =	simm.s32 $0xA;
	s4 =	simm.s32 $0x10  }
0x92: {  	[smem:s4], [sflag:s15] =	dma.local [hbm:s2], $0x1  }
0x93: {  	_ =	swait.eq [sflag:s15], $0x1  }
0x94: {  	[sflag:s15] =	ssyncset.done $0x0  }
0x95: {  	s16 =	sld [smem:$0x11];
	[sflag:s15] =	ssyncadd.s32 $0xFFFFFFFF  }
0x96: {  	s17 =	sld [smem:$0x12];
	(tm) =	ssettm $0x1  }
0x97: {  	s18 =	sld [smem:$0x3FFB];
	_ =	sdelay $0x3  }
0x98: {  	_ =	strace s18  }
0x99: {  	s4 =	sld [smem:$0x3FFC];
	_ =	sdelay $0x3  }
0x9a: {  	_ =	strace s4  }
0x9b: {  	s4 =	sld [smem:$0x3FFD];
	_ =	sdelay $0x3  }
0x9c: {  	_ =	strace s4  }
0x9d: {  	_ =	strace $0x8FFFFFFF  }
0x9e: {  	s19 =	sld [smem:$0x3FDB];
	_ =	sdelay $0x1  }
0x9f: {  	s5 =	simm.s32 $_scs_section_size  }
0xa0: {  	s6 =	simm.s32 $_size__tile_overlayer_lowered;
	s7 =	simm.s32 $_tile_overlayer_lowered  }
0xa1: {  	s22 =	simm.s32 $0x1BFF;
	s21 =	sshll.u32 s7, $0x1;
	s4 =	sadd.s32 s5, s19  }
0xa2: {  	s8 =	simm.s32 $0x0;
	s20 =	sshll.u32 s6, $0x1;
	s6 =	sadd.s32 s21, s4  }
0xa3: {  	[timem:s8], [sflag:s22] =	dma.local [hbm:s6], s20  }
0xa4: {  	_ =	swait.ge [sflag:s22], s20  }
0xa5: {  	s5 =	ssub.s32 $0x0, s20;
	[sflag:s22] =	ssyncset.done $0x0  }
0xa6: {  	[sflag:s22] =	ssyncadd.s32 s5;
	_ =	sdelay $0x1  }
0xa7: {  	s23 =	simm.s32 $0x1B8B  }
0xa8: {  	_ =	swait.ge [sflag:s23], $0x1  }
0xa9: {  	[sflag:s23] =	ssyncset.done $0x0  }
0xaa: {  	s25 =	simm.s32 $0x1B8E;
	s24 =	sld [smem:$0x3FFE];
	[sflag:s23] =	ssyncadd.s32 $0xFFFFFFFF  }
0xab: {  	s26 =	simm.s32 $execute0_lowered;
	[smem:$0x3FD2] =	sst s25  }
0xac: {  	s6 =	sshll.u32 s26, $0x1;
	_ =	strace $0x80000046;
	[dreg:$0x1] =	wrdreg $0xFFFFFFFF  }
0xad: {  	s28 =	simm.s32 $_size_execute0_lowered;
	s4 =	sadd.s32 s4, s6;
	[dreg:$0x0] =	wrdreg $0x0  }
0xae: {  	s6 =	sshll.u32 s28, $0x1;
	[dreg:$0x2] =	wrdreg s4  }
0xaf: {  	[dreg:$0x3] =	wrdreg s6  }
0xb0: {  	[dreg:$0x4] =	wrdreg $0xC0  }
0xb1: {  	_ =	task [dreg:s8], $0x5FFFF  }
0xb2: {  	[dreg:$0x1] =	wrdreg $0xFFFFFFFF  }
0xb3: {  	[dreg:$0x0] =	wrdreg $0x60  }
0xb4: {  	[dreg:$0x2] =	wrdreg s17  }
0xb5: {  	[dreg:$0x3] =	wrdreg s16  }
0xb6: {  	[dreg:$0x4] =	wrdreg s24  }
0xb7: {  	[dreg:$0x5] =	wrdreg $0x9  }
0xb8: {  	_ =	task.clear_ibuf [dreg:s8], $0x6FFFF;
	_ =	strace $0x90000046  }
0xb9: {  	s29 =	simm.s32 $0x9;
	_ =	strace $0x80000048  }
0xba: {  	_ =	swait.ge [sflag:s29], $0x1  }
0xbb: {  	[sflag:s29] =	ssyncadd.s32 $0xFFFFFFFF  }
0xbc: {  	_ =	strace $0x90000048  }
0xbd: {  	_ =	sfence  }
0xbe: {  	s30 =	sld [smem:$0x0];
	_ =	sdelay $0x2  }
0xbf: {  	s31 =	sshll.u32 s1, $0xD;
	s1 =	sshrl.u32 s1, $0x2  }
0xc0: {  	s3 =	sand.u32 $0x4000, s31;
	s1 =	sadd.s32 s1, s30  }
0xc1: {  	s0 =	sor.u32 s3, s0;
	s1 =	sshll.u32 s1, $0x11  }
0xc2: {  	s0 =	sor.u32 s1, s0  }
0xc3: {  	s0 =	sadd.s32 $0x8F2B, s0  }
0xc4: {  	[sflag:s0] =	ssyncadd.remote.s32 $0x1  }
0xc5: {  	_ =	sfence.sel $0xFFFF  }
0xc6: {  	[dreg:$0x0] =	wrdreg $0xFFFFFFFF;
	(pc) =	sbr.abs _section_cstart, $3  }
0xc7: {  	[dreg:$0x1] =	wrdreg $0xFFFFFFFF  }
0xc8: {  	_ =	task.clear_ibuf [dreg:s8], $0x2FFFF;
	_ =	strace $0x9FFFFFFF  }
0xc9: {  	(tm) =	ssettm $0x7FFFFFFF  }
tec
execute0_lowered:
.L_overlay_start_1:
0x0: {  	(tag) =	ssettag $0x1  }
0x1: {  	s3 =	rddreg [dreg:$0x0]  }
0x2: {  	s4 =	rddreg [dreg:$0x1]  }
0x3: {  	s5 =	rddreg [dreg:$0x2]  }
0x4: {  	s0 =	rddreg [dreg:$0x3];
	s6 =	srdreg.scid  }
0x5: {  	s2 =	simm.s32 $0x0;
	s1 =	stileid.u32;
	s10 =	simm.s32 $0x1  }
0x6: {  	s11 =	simm.s32 $0x2000;
	s12 =	simm.s32 $0x2400;
	s13 =	simm.s32 $0x2800  }
0x7: {  	s14 =	simm.s32 $0x0;
	s6 =	sand.u32 $0x1, s6;
	s7 =	sshll.u32 s1, $0x7  }
0x8: {  	[smem:$0x7FF] =	sst s2;
	s8 =	sshll.u32 s6, $0x6;
	s6 =	ssub.s32 $0x2, s6  }
0x9: {  	_ =	strace $0x80000047;
	s7 =	sor.u32 s8, s7;
	s31 =	sshrl.u32 s6, $0x1  }
0xa: {  	s9 =	sadd.s32 s7, s5;
	s8 =	ssub.s32 s6, s31;
	s3 =	sadd.s32 s3, s7  }
0xb: {  	s4 =	sadd.s32 s4, s7;
	s5 =	sadd.s32 $0xA00, s9;
	s6 =	sadd.s32 $0x1A00, s9  }
0xc: {  	v0 =	vimm.s32 $0x0;
	s7 =	smax.u32 s8, $0x1;
	s8 =	simm.s32 $0x200;
	s9 =	simm.s32 $0x4000  }
.LBB2_1:
0xd: {  	[tilespmem:s2], [sflag:$0x1] =	stream.strided.gather [hbm4b:s3+s8], $0x2000, s9, s8, $0x38;
	[tilespmem:$0x4800] =	vst v63  }
0xe: {  	_ =	swait.ge [sflag:s10], $0x2000  }
0xf: {  	[sflag:s10] =	ssyncset.done $0x0  }
0x10: {  	s16 =	simm.s32 $0x0;
	[sflag:s10] =	ssyncadd.s32 $0xFFFFE000  }
0x11: {  	v1 =	vld [tilespmem:s16+$0x0]  }
0x12: {  	v2 =	vld [tilespmem:s16+$0x200];
	_ =	sdelay $0x1  }
0x13: {  	v3 =	vld [tilespmem:s16+$0x400];
	_ =	sdelay $0x1  }
0x14: {  	v4 =	vld [tilespmem:s16+$0x600]  }
0x15: {  	vm0 =	vgt.f32 v2, v1  }
0x16: {  	v5 =	vld [tilespmem:s16+$0x800];
	v6 =	vsel vm0, v2, v1  }
0x17: {  	vm1 =	vgt.f32 v3, v6  }
0x18: {  	v7 =	vld [tilespmem:s16+$0xA00];
	v6 =	vsel vm1, v3, v6  }
0x19: {  	vm2 =	vgt.f32 v4, v6  }
0x1a: {  	v8 =	vld [tilespmem:s16+$0xC00];
	v6 =	vsel vm2, v4, v6  }
0x1b: {  	vm3 =	vgt.f32 v5, v6  }
0x1c: {  	v9 =	vld [tilespmem:s16+$0xE00];
	v6 =	vsel vm3, v5, v6  }
0x1d: {  	vm4 =	vgt.f32 v7, v6  }
0x1e: {  	v10 =	vld [tilespmem:s16+$0x1000];
	v6 =	vsel vm4, v7, v6  }
0x1f: {  	vm5 =	vgt.f32 v8, v6  }
0x20: {  	v11 =	vld [tilespmem:s16+$0x1200];
	v6 =	vsel vm5, v8, v6  }
0x21: {  	vm6 =	vgt.f32 v9, v6  }
0x22: {  	v12 =	vld [tilespmem:s16+$0x1400];
	v6 =	vsel vm6, v9, v6  }
0x23: {  	vm7 =	vgt.f32 v10, v6  }
0x24: {  	v14 =	vld [tilespmem:s16+$0x1600];
	v13 =	vsel vm0, $0x1, v0;
	v6 =	vsel vm7, v10, v6  }
0x25: {  	v13 =	vsel vm1, $0x2, v13;
	vm0 =	vgt.f32 v11, v6  }
0x26: {  	v15 =	vld [tilespmem:s16+$0x1800];
	v13 =	vsel vm2, $0x3, v13;
	v6 =	vsel vm0, v11, v6  }
0x27: {  	v13 =	vsel vm3, $0x4, v13;
	vm1 =	vgt.f32 v12, v6  }
0x28: {  	v16 =	vld [tilespmem:s16+$0x1A00];
	v13 =	vsel vm4, $0x5, v13;
	v6 =	vsel vm1, v12, v6  }
0x29: {  	v13 =	vsel vm5, $0x6, v13;
	vm2 =	vgt.f32 v14, v6  }
0x2a: {  	v17 =	vld [tilespmem:s16+$0x1C00];
	v13 =	vsel vm6, $0x7, v13;
	v6 =	vsel vm2, v14, v6  }
0x2b: {  	v13 =	vsel vm7, $0x8, v13;
	vm3 =	vgt.f32 v15, v6  }
0x2c: {  	v18 =	vld [tilespmem:s16+$0x1E00];
	v13 =	vsel vm0, $0x9, v13;
	v6 =	vsel vm3, v15, v6  }
0x2d: {  	v13 =	vsel vm1, $0xA, v13;
	vm0 =	vgt.f32 v16, v6  }
0x2e: {  	v13 =	vsel vm2, $0xB, v13;
	v6 =	vsel vm0, v16, v6  }
0x2f: {  	v13 =	vsel vm3, $0xC, v13;
	vm1 =	vgt.f32 v17, v6  }
0x30: {  	v13 =	vsel vm0, $0xD, v13;
	v6 =	vsel vm1, v17, v6  }
0x31: {  	v13 =	vsel vm1, $0xE, v13;
	vm4 =	vgt.f32 v18, v6  }
0x32: {  	v13 =	vsel vm4, $0xF, v13  }
0x33: {  	vm0 =	veq.s32 v13, $0x0  }
0x34: {  	v19 =	vimm.s32 $0x0;
	v1 =	vsel vm0, $0xFF61B1E6, v1  }
0x35: {  	vm1 =	veq.s32 v13, $0x1;
	v19 =	vsel vm0, $0xFFFFFFFF, v19;
	vm0 =	vgt.f32 v1, $-3.000000010e+38  }
0x36: {  	v2 =	vsel vm1, $0xFF61B1E6, v2;
	[tilespmem:$0x1FDF0] =	vst v19;
	v19 =	vimm.s32 $0x0;
	v1 =	vnsel vm0, $0xFF61B1E6, v1  }
0x37: {  	v19 =	vsel vm1, $0xFFFFFFFF, v19;
	vm0 =	veq.s32 v13, $0x2;
	vm1 =	vgt.f32 v2, v1  }
0x38: {  	[tilespmem:$0x1FE20] =	vst v19;
	v19 =	vimm.s32 $0x0;
	v1 =	vsel vm1, v2, v1;
	v2 =	vsel vm0, $0xFF61B1E6, v3  }
0x39: {  	v19 =	vsel vm1, $0xFFFFFFFF, v19;
	v3 =	vimm.s32 $0x0;
	vm1 =	vgt.f32 v2, v1  }
0x3a: {  	[tilespmem:$0x1FD00] =	vst v19;
	v19 =	vimm.s32 $0x0;
	v3 =	vsel vm1, $0xFFFFFFFF, v3  }
0x3b: {  	v19 =	vsel vm0, $0xFFFFFFFF, v19;
	vm0 =	veq.s32 v13, $0x3;
	[tilespmem:$0x1FD10] =	vst v3;
	v3 =	vimm.s32 $0x0  }
0x3c: {  	v1 =	vsel vm1, v2, v1;
	v2 =	vsel vm0, $0xFF61B1E6, v4;
	v3 =	vsel vm0, $0xFFFFFFFF, v3  }
0x3d: {  	vm13 =	vgt.f32 v2, v1;
	vm0 =	veq.s32 v13, $0x4;
	[tilespmem:$0x1FE70] =	vst v3;
	v3 =	vimm.s32 $0x0  }
0x3e: {  	v1 =	vsel vm13, v2, v1;
	v2 =	vsel vm0, $0xFF61B1E6, v5;
	v3 =	vsel vm0, $0xFFFFFFFF, v3  }
0x3f: {  	vm12 =	vgt.f32 v2, v1;
	vm0 =	veq.s32 v13, $0x5;
	[tilespmem:$0x1FE90] =	vst v3;
	v3 =	vimm.s32 $0x0  }
0x40: {  	v1 =	vsel vm12, v2, v1;
	v2 =	vsel vm0, $0xFF61B1E6, v7;
	v3 =	vsel vm0, $0xFFFFFFFF, v3  }
0x41: {  	vm9 =	vgt.f32 v2, v1;
	vm0 =	veq.s32 v13, $0x6;
	[tilespmem:$0x1FEB0] =	vst v3;
	v3 =	vimm.s32 $0x0  }
0x42: {  	v1 =	vsel vm9, v2, v1;
	v2 =	vsel vm0, $0xFF61B1E6, v8;
	v3 =	vsel vm0, $0xFFFFFFFF, v3  }
0x43: {  	vm10 =	vgt.f32 v2, v1;
	vm0 =	veq.s32 v13, $0x7;
	[tilespmem:$0x1FED0] =	vst v3;
	v3 =	vimm.s32 $0x0  }
0x44: {  	v1 =	vsel vm10, v2, v1;
	v2 =	vsel vm0, $0xFF61B1E6, v9;
	v3 =	vsel vm0, $0xFFFFFFFF, v3  }
0x45: {  	vm8 =	vgt.f32 v2, v1;
	vm0 =	veq.s32 v13, $0x8;
	[tilespmem:$0x1FF00] =	vst v3;
	v3 =	vimm.s32 $0x0  }
0x46: {  	v1 =	vsel vm8, v2, v1;
	v2 =	vsel vm0, $0xFF61B1E6, v10;
	v3 =	vsel vm0, $0xFFFFFFFF, v3  }
0x47: {  	vm7 =	vgt.f32 v2, v1;
	vm0 =	veq.s32 v13, $0x9;
	[tilespmem:$0x1FF10] =	vst v3;
	v3 =	vimm.s32 $0x0  }
0x48: {  	v1 =	vsel vm7, v2, v1;
	v2 =	vsel vm0, $0xFF61B1E6, v11;
	v3 =	vsel vm0, $0xFFFFFFFF, v3  }
0x49: {  	vm1 =	vgt.f32 v2, v1;
	[tilespmem:$0x1FF30] =	vst v3;
	v3 =	vimm.s32 $0x0  }
0x4a: {  	v3 =	vsel vm1, $0xFFFFFFFF, v3  }
0x4b: {  	vm0 =	veq.s32 v13, $0xA;
	[tilespmem:$0x1FD20] =	vst v3;
	v3 =	vimm.s32 $0x0  }
0x4c: {  	v1 =	vsel vm1, v2, v1;
	v2 =	vsel vm0, $0xFF61B1E6, v12;
	v3 =	vsel vm0, $0xFFFFFFFF, v3  }
0x4d: {  	vm1 =	vgt.f32 v2, v1;
	[tilespmem:$0x1FF50] =	vst v3;
	v3 =	vimm.s32 $0x0  }
0x4e: {  	v3 =	vsel vm1, $0xFFFFFFFF, v3  }
0x4f: {  	vm0 =	veq.s32 v13, $0xB;
	[tilespmem:$0x1FD30] =	vst v3;
	v3 =	vimm.s32 $0x0  }
0x50: {  	v1 =	vsel vm1, v2, v1;
	v2 =	vsel vm0, $0xFF61B1E6, v14;
	v3 =	vsel vm0, $0xFFFFFFFF, v3  }
0x51: {  	vm1 =	vgt.f32 v2, v1;
	[tilespmem:$0x1FF80] =	vst v3;
	v3 =	vimm.s32 $0x0  }
0x52: {  	v3 =	vsel vm1, $0xFFFFFFFF, v3  }
0x53: {  	vm0 =	veq.s32 v13, $0xC;
	[tilespmem:$0x1FD40] =	vst v3;
	v3 =	vimm.s32 $0x0  }
0x54: {  	s15 =	simm.s32 $0x10;
	[tilespmem:s16+$0x2400] =	vst v13;
	v1 =	vsel vm1, v2, v1;
	v2 =	vsel vm0, $0xFF61B1E6, v15;
	v3 =	vsel vm0, $0xFFFFFFFF, v3  }
0x55: {  	v7 =	vld [tilespmem:s15+$0x0];
	vm1 =	vgt.f32 v2, v1;
	[tilespmem:$0x1FFA0] =	vst v3;
	v3 =	vimm.s32 $0x0  }
0x56: {  	v11 =	vld [tilespmem:s15+$0x200];
	vm0 =	veq.s32 v13, $0xD;
	v3 =	vsel vm1, $0xFFFFFFFF, v3  }
0x57: {  	v1 =	vsel vm1, v2, v1;
	v2 =	vsel vm0, $0xFF61B1E6, v16;
	[tilespmem:$0x1FD50] =	vst v3;
	v3 =	vimm.s32 $0x0  }
0x58: {  	v12 =	vld [tilespmem:s15+$0x400];
	vm15 =	vgt.f32 v2, v1;
	v3 =	vsel vm0, $0xFFFFFFFF, v3;
	vm0 =	veq.s32 v13, $0xE  }
0x59: {  	v1 =	vsel vm15, v2, v1;
	[tilespmem:$0x1FFD0] =	vst v3;
	v3 =	vimm.s32 $0x0;
	v2 =	vsel vm0, $0xFF61B1E6, v17  }
0x5a: {  	v14 =	vld [tilespmem:s15+$0x600];
	v3 =	vsel vm0, $0xFFFFFFFF, v3;
	vm11 =	vgt.f32 v2, v1;
	vm0 =	veq.s32 v13, $0xF  }
0x5b: {  	vm5 =	vgt.f32 v11, v7;
	v1 =	vsel vm11, v2, v1;
	v2 =	vsel vm0, $0xFF61B1E6, v18  }
0x5c: {  	v20 =	vld [tilespmem:s15+$0x800];
	[tilespmem:$0x1FFE0] =	vst v3;
	v3 =	vsel vm5, v11, v7;
	vm6 =	vgt.f32 v2, v1  }
0x5d: {  	vm3 =	vgt.f32 v12, v3;
	v1 =	vsel vm6, v2, v1  }
0x5e: {  	v22 =	vld [tilespmem:s15+$0xA00];
	v3 =	vsel vm3, v12, v3;
	v2 =	vsel vm4, v18, v6;
	v1 =	vsub.f32 $0.0e+00, v1  }
0x5f: {  	vm2 =	vgt.f32 v14, v3;
	v2 =	vsub.f32 $0.0e+00, v2  }
0x60: {  	v3 =	vsel vm2, v14, v3;
	v1 =	vmul.f32 $1.442695020e+00, v1  }
0x61: {  	vm4 =	vgt.f32 v20, v3;
	v2 =	vmul.f32 $1.442695020e+00, v2  }
0x62: {  	v24 =	vld [tilespmem:s15+$0xC00];
	v4 =	vimm.s32 $0x0;
	v3 =	vsel vm4, v20, v3;
	(erf) = vpow2.f32 v1  }
0x63: {  	v4 =	vsel vm0, $0xFFFFFFFF, v4;
	vm0 =	vgt.f32 v22, v3;
	(erf) = vpow2.f32 v2;
	v2 =	vld [tilespmem:$0x1FD00]  }
0x64: {  	v1 =	vsel vm0, v22, v3;
	v3 =	vld [tilespmem:$0x1FD10]  }
0x65: {  	v23 =	vld [tilespmem:s15+$0xE00];
	_ =	sdelay $0x1  }
0x66: {  	v21 =	vld [tilespmem:s15+$0x1000]  }
0x67: {  	vm1 =	vgt.f32 v24, v1;
	vm14 =	vnez.u8 v2  }
0x68: {  	[tilespmem:$0x1FE40] =	vst v19;
	v19 =	vld [tilespmem:s15+$0x1200];
	v1 =	vsel vm1, v24, v1;
	v2 =	vsel vm14, $0x1, v0;
	vm14 =	vnez.u8 v3  }
0x69: {  	v2 =	vsel vm14, $0x2, v2;
	vm14 =	vgt.f32 v23, v1  }
0x6a: {  	v18 =	vld [tilespmem:s15+$0x1400];
	v2 =	vsel vm13, $0x3, v2;
	v1 =	vsel vm14, v23, v1  }
0x6b: {  	v3 =	vsel vm5, $0x1, v0;
	v2 =	vsel vm12, $0x4, v2;
	vm12 =	vgt.f32 v21, v1  }
0x6c: {  	v5 =	vld [tilespmem:s15+$0x1600];
	v3 =	vsel vm3, $0x2, v3;
	v1 =	vsel vm12, v21, v1  }
0x6d: {  	[tilespmem:$0x1FD80] =	vst v4;
	v3 =	vsel vm2, $0x3, v3;
	v4 =	vpop (erf);
	vm3 =	vgt.f32 v19, v1  }
0x6e: {  	v3 =	vsel vm4, $0x4, v3;
	v4 =	vadd.f32 $1.000000000e+00, v4;
	v6 =	vpop (erf);
	v1 =	vsel vm3, v19, v1  }
0x6f: {  	v3 =	vsel vm0, $0x5, v3;
	v8 =	vadd.f32 $1.000000000e+00, v6;
	vm2 =	vgt.f32 v18, v1  }
0x70: {  	v3 =	vsel vm1, $0x6, v3;
	(erf) = vrcp.f32 v4;
	v1 =	vsel vm2, v18, v1  }
0x71: {  	v3 =	vsel vm14, $0x7, v3;
	(erf) = vrcp.f32 v8;
	v8 =	vld [tilespmem:$0x1FD30];
	vm0 =	vgt.f32 v5, v1  }
0x72: {  	v4 =	vsel vm0, v5, v1;
	v1 =	vsel vm12, $0x8, v3;
	v3 =	vld [tilespmem:$0x1FD20];
	_ =	sdelay $0x3  }
0x73: {  	v2 =	vsel vm9, $0x5, v2  }
0x74: {  	vm4 =	vnez.u8 v3;
	v3 =	vsel vm3, $0x9, v1;
	vm3 =	vnez.u8 v8;
	v8 =	vld [tilespmem:$0x1FD40]  }
0x75: {  	v2 =	vsel vm10, $0x6, v2  }
0x76: {  	v16 =	vld [tilespmem:s15+$0x1800];
	v2 =	vsel vm8, $0x7, v2  }
0x77: {  	v2 =	vsel vm7, $0x8, v2  }
0x78: {  	v17 =	vld [tilespmem:s15+$0x1A00];
	v2 =	vsel vm4, $0x9, v2  }
0x79: {  	v2 =	vsel vm3, $0xA, v2;
	vm3 =	vnez.u8 v8;
	v8 =	vld [tilespmem:$0x1FD50]  }
0x7a: {  	v6 =	vld [tilespmem:s15+$0x1C00]  }
0x7b: {  	v35 =	vimm.s32 $0x0;
	vm1 =	vgt.f32 v16, v4  }
0x7c: {  	v36 =	vimm.s32 $0x0;
	v4 =	vsel vm1, v16, v4;
	v1 =	vld [tilespmem:s15+$0x1E00];
	v3 =	vsel vm2, $0xA, v3  }
0x7d: {  	v58 =	vimm.s32 $0x0;
	vm2 =	vgt.f32 v17, v4;
	v3 =	vsel vm0, $0xB, v3  }
0x7e: {  	v4 =	vsel vm2, v17, v4;
	v2 =	vsel vm3, $0xB, v2;
	vm0 =	vnez.u8 v8  }
0x7f: {  	v3 =	vsel vm1, $0xC, v3;
	v2 =	vsel vm0, $0xC, v2;
	vm0 =	vgt.f32 v6, v4  }
0x80: {  	v3 =	vsel vm2, $0xD, v3;
	v8 =	vsel vm15, $0xD, v2;
	v2 =	vsel vm0, v6, v4  }
0x81: {  	v60 =	vimm.s32 $0x0;
	v3 =	vsel vm0, $0xE, v3;
	vm0 =	vgt.f32 v1, v2  }
0x82: {  	v61 =	vimm.s32 $0x0;
	v63 =	vimm.s32 $0x0;
	v3 =	vsel vm0, $0xF, v3  }
0x83: {  	v39 =	vimm.s32 $0x0;
	v9 =	vimm.s32 $0x0;
	vm1 =	veq.s32 v3, $0x0  }
0x84: {  	v40 =	vimm.s32 $0x0;
	v43 =	vimm.s32 $0x0;
	v9 =	vsel vm1, $0xFFFFFFFF, v9  }
0x85: {  	v45 =	vimm.s32 $0x0;
	v48 =	vimm.s32 $0x0;
	v4 =	vsel vm11, $0xE, v8;
	[tilespmem:$0x1FD70] =	vst v9;
	v9 =	vld [tilespmem:$0x1FD80]  }
0x86: {  	v52 =	vimm.s32 $0x0;
	v25 =	vsel vm6, $0xF, v4;
	v4 =	vimm.s32 $0x0  }
0x87: {  	v54 =	vimm.s32 $0x0;
	v4 =	vsel vm0, $0xFFFFFFFF, v4;
	vm0 =	veq.s32 v25, $0xF  }
0x88: {  	v26 =	vpop (erf);
	vm3 =	veq.s32 v3, $0x5;
	vm5 =	veq.s32 v3, $0x7;
	v7 =	vsel vm1, $0xFF61B1E6, v7  }
0x89: {  	v8 =	vnsel vm0, $0x0, v26;
	v22 =	vsel vm3, $0xFF61B1E6, v22;
	vm1 =	vgt.f32 v7, $-3.000000010e+38  }
0x8a: {  	[tilespmem:$0x1FD60] =	vst v4;
	v50 =	vsel vm5, $0xFF61B1E6, v23;
	v4 =	vpop (erf);
	v28 =	vnsel vm1, $0xFF61B1E6, v7;
	vm0 =	vnez.u8 v9  }
0x8b: {  	vm1 =	veq.s32 v25, $0x3;
	v27 =	vsel vm0, v4, v8;
	vm0 =	veq.s32 v25, $0x0  }
0x8c: {  	v32 =	vnsel vm1, $0x0, v26;
	v29 =	vnsel vm0, $0x0, v26;
	vm0 =	veq.s32 v25, $0x1  }
0x8d: {  	vm1 =	veq.s32 v25, $0x6;
	v30 =	vnsel vm0, $0x0, v26;
	vm0 =	veq.s32 v25, $0x2  }
0x8e: {  	v15 =	vnsel vm1, $0x0, v26;
	v31 =	vnsel vm0, $0x0, v26;
	vm0 =	veq.s32 v25, $0x4  }
0x8f: {  	vm1 =	veq.s32 v25, $0x9;
	v33 =	vnsel vm0, $0x0, v26;
	vm0 =	veq.s32 v25, $0x5  }
0x90: {  	v9 =	vnsel vm1, $0x0, v26;
	v34 =	vnsel vm0, $0x0, v26;
	vm0 =	veq.s32 v25, $0x7  }
0x91: {  	vm1 =	veq.s32 v3, $0x1;
	v7 =	vnsel vm0, $0x0, v26;
	vm0 =	veq.s32 v25, $0x8  }
0x92: {  	v35 =	vsel vm1, $0xFFFFFFFF, v35;
	v8 =	vnsel vm0, $0x0, v26;
	vm0 =	veq.s32 v25, $0xA  }
0x93: {  	v57 =	vsel vm1, $0xFF61B1E6, v11;
	v10 =	vnsel vm0, $0x0, v26;
	vm0 =	veq.s32 v25, $0xB  }
0x94: {  	vm1 =	vgt.f32 v57, v28;
	v13 =	vnsel vm0, $0x0, v26;
	vm0 =	veq.s32 v25, $0xC  }
0x95: {  	v28 =	vsel vm1, v57, v28;
	v11 =	vnsel vm0, $0x0, v26;
	vm0 =	veq.s32 v3, $0x2  }
0x96: {  	v38 =	vld [tilespmem:$0x1FDF0];
	[tilespmem:$0x1FD90] =	vst v35;
	v35 =	vsel vm0, $0xFFFFFFFF, v58;
	v59 =	vsel vm0, $0xFF61B1E6, v12;
	vm0 =	veq.s32 v25, $0xD  }
0x97: {  	v36 =	vsel vm1, $0xFFFFFFFF, v36;
	v12 =	vnsel vm0, $0x0, v26;
	vm1 =	vgt.f32 v59, v28  }
0x98: {  	[tilespmem:$0x1FDA0] =	vst v36;
	vm0 =	veq.s32 v3, $0x3;
	v36 =	vsel vm1, $0xFFFFFFFF, v60;
	v28 =	vsel vm1, v59, v28  }
0x99: {  	v41 =	vld [tilespmem:$0x1FE20];
	[tilespmem:$0x1FDB0] =	vst v35;
	v35 =	vsel vm0, $0xFFFFFFFF, v61;
	v62 =	vsel vm0, $0xFF61B1E6, v14;
	vm0 =	veq.s32 v25, $0xE  }
0x9a: {  	vm1 =	veq.s32 v3, $0x4;
	v14 =	vnsel vm0, $0x0, v26;
	vm0 =	vgt.f32 v62, v28  }
0x9b: {  	[tilespmem:$0x1FDC0] =	vst v36;
	v36 =	vsel vm0, $0xFFFFFFFF, v63;
	v28 =	vsel vm0, v62, v28;
	vm0 =	vnez.u8 v38  }
0x9c: {  	v44 =	vld [tilespmem:$0x1FE40];
	v57 =	vimm.s32 $0x0;
	v20 =	vsel vm1, $0xFF61B1E6, v20;
	vm0 =	vmmov vm0  }
0x9d: {  	[tilespmem:$0x1FDD0] =	vst v35;
	v35 =	vsel vm1, $0xFFFFFFFF, v39;
	v29 =	vsel vm0, v4, v29;
	vm0 =	vgt.f32 v20, v28  }
0x9e: {  	[tilespmem:$0x1FE00] =	vst v35;
	v35 =	vsel vm0, $0xFFFFFFFF, v40;
	v20 =	vsel vm0, v20, v28;
	vm0 =	vnez.u8 v41  }
0x9f: {  	v49 =	vld [tilespmem:$0x1FE70];
	v60 =	vimm.s32 $0x0;
	v61 =	vimm.s32 $0x0;
	vm0 =	vmmov vm0  }
0xa0: {  	vm1 =	veq.s32 v3, $0x6;
	v42 =	vsel vm0, v4, v30;
	vm0 =	vgt.f32 v22, v20  }
0xa1: {  	v30 =	vsel vm0, $0xFFFFFFFF, v43;
	v20 =	vsel vm0, v22, v20;
	vm0 =	vnez.u8 v44  }
0xa2: {  	v53 =	vld [tilespmem:$0x1FE90];
	v46 =	vsel vm1, $0xFF61B1E6, v24;
	v22 =	vsel vm1, $0xFFFFFFFF, v45;
	vm0 =	vmmov vm0  }
0xa3: {  	vm1 =	veq.s32 v3, $0x8;
	v47 =	vsel vm0, v4, v31;
	vm0 =	vgt.f32 v46, v20  }
0xa4: {  	v56 =	vld [tilespmem:$0x1FEB0];
	[tilespmem:$0x1FE30] =	vst v30;
	v30 =	vsel vm0, $0xFFFFFFFF, v48;
	v20 =	vsel vm0, v46, v20;
	vm0 =	vnez.u8 v49  }
0xa5: {  	v59 =	vld [tilespmem:$0x1FED0];
	[tilespmem:$0x1FE50] =	vst v22;
	v22 =	vsel vm1, $0xFFFFFFFF, v54;
	v21 =	vsel vm1, $0xFF61B1E6, v21;
	vm0 =	vmmov vm0  }
0xa6: {  	vm1 =	veq.s32 v3, $0x9;
	v51 =	vsel vm0, v4, v32;
	vm0 =	vgt.f32 v50, v20  }
0xa7: {  	[tilespmem:$0x1FE60] =	vst v30;
	v30 =	vsel vm0, $0xFFFFFFFF, v52;
	v20 =	vsel vm0, v50, v20;
	vm0 =	vnez.u8 v53  }
0xa8: {  	v62 =	vld [tilespmem:$0x1FF00];
	v58 =	vsel vm1, $0xFF61B1E6, v19;
	vm0 =	vmmov vm0;
	vm8 =	vgt.f32 v21, v20  }
0xa9: {  	v55 =	vsel vm0, v4, v33;
	v20 =	vsel vm8, v21, v20;
	vm0 =	vnez.u8 v56  }
0xaa: {  	v21 =	vsel vm1, $0xFFFFFFFF, v57;
	vm1 =	vnez.u8 v59;
	vm0 =	vmmov vm0  }
0xab: {  	vm7 =	vgt.f32 v58, v20;
	vm1 =	vmmov vm1;
	v19 =	vsel vm0, v4, v34  }
0xac: {  	[tilespmem:$0x1FEC0] =	vst v21;
	vm0 =	veq.s32 v3, $0xA;
	v20 =	vsel vm7, v58, v20;
	v21 =	vsel vm1, $0xFFFFFFFF, v60  }
0xad: {  	[tilespmem:$0x1FEE0] =	vst v21;
	v21 =	vsel vm0, $0xFFFFFFFF, v61;
	v18 =	vsel vm0, $0xFF61B1E6, v18;
	vm0 =	vnez.u8 v62  }
0xae: {  	vm13 =	vmmov vm0;
	vm9 =	vgt.f32 v18, v20  }
0xaf: {  	vm0 =	veq.s32 v3, $0xB;
	v18 =	vsel vm9, v18, v20;
	v20 =	vimm.s32 $0x0  }
0xb0: {  	v20 =	vsel vm0, $0xFFFFFFFF, v20  }
0xb1: {  	[tilespmem:$0x1FF20] =	vst v20;
	v20 =	vld [tilespmem:$0x1FF30];
	_ =	sdelay $0x3  }
0xb2: {  	v5 =	vsel vm0, $0xFF61B1E6, v5  }
0xb3: {  	vm10 =	vgt.f32 v5, v18;
	vm0 =	vnez.u8 v20  }
0xb4: {  	v5 =	vsel vm10, v5, v18;
	v20 =	vimm.s32 $0x0;
	vm0 =	vmmov vm0  }
0xb5: {  	v18 =	vimm.s32 $0x0;
	v20 =	vsel vm0, $0xFFFFFFFF, v20;
	vm0 =	veq.s32 v3, $0xC  }
0xb6: {  	v18 =	vsel vm0, $0xFFFFFFFF, v18  }
0xb7: {  	[tilespmem:$0x1FF70] =	vst v18;
	v18 =	vld [tilespmem:$0x1FF80];
	_ =	sdelay $0x1  }
0xb8: {  	[tilespmem:s16+$0x2200] =	vst v26  }
0xb9: {  	[tilespmem:s16+$0x2600] =	vst v25  }
0xba: {  	[tilespmem:s16+$0x2000] =	vst v4;
	v63 =	vld [tilespmem:$0x1FF10]  }
0xbb: {  	[tilespmem:s16+$0x4600] =	vst v27;
	v16 =	vsel vm0, $0xFF61B1E6, v16;
	vm0 =	vnez.u8 v18  }
0xbc: {  	[tilespmem:$0x1FF40] =	vst v20;
	v20 =	vld [tilespmem:$0x1FF50];
	v18 =	vimm.s32 $0x0;
	vm0 =	vmmov vm0  }
0xbd: {  	[tilespmem:s15+$0x2400] =	vst v3;
	v18 =	vsel vm0, $0xFFFFFFFF, v18  }
0xbe: {  	[tilespmem:$0x1FF90] =	vst v18;
	v18 =	vld [tilespmem:$0x1FFA0]  }
0xbf: {  	[tilespmem:$0x1FDE0] =	vst v36;
	vm1 =	vnez.u8 v63  }
0xc0: {  	[tilespmem:s16+$0x2800] =	vst v29;
	vm14 =	vmmov vm1;
	vm11 =	vgt.f32 v16, v5  }
0xc1: {  	[tilespmem:$0x1FE10] =	vst v35;
	v16 =	vsel vm11, v16, v5;
	v5 =	vimm.s32 $0x0;
	vm1 =	vnez.u8 v20  }
0xc2: {  	[tilespmem:s16+$0x2A00] =	vst v42;
	v20 =	vimm.s32 $0x0;
	vm1 =	vmmov vm1;
	vm0 =	veq.s32 v3, $0xD  }
0xc3: {  	[tilespmem:$0x1FEA0] =	vst v22;
	v20 =	vsel vm1, $0xFFFFFFFF, v20;
	v5 =	vsel vm0, $0xFFFFFFFF, v5;
	vm1 =	vnez.u8 v18  }
0xc4: {  	[tilespmem:$0x1FFC0] =	vst v5;
	v5 =	vld [tilespmem:$0x1FFD0];
	v18 =	vimm.s32 $0x0;
	vm1 =	vmmov vm1  }
0xc5: {  	[tilespmem:s16+$0x2C00] =	vst v47;
	v18 =	vsel vm1, $0xFFFFFFFF, v18  }
0xc6: {  	[tilespmem:$0x1FFB0] =	vst v18;
	v18 =	vld [tilespmem:$0x1FFE0]  }
0xc7: {  	[tilespmem:s16+$0x2E00] =	vst v51;
	v17 =	vsel vm0, $0xFF61B1E6, v17  }
0xc8: {  	[tilespmem:$0x1FE80] =	vst v30;
	vm12 =	vgt.f32 v17, v16  }
0xc9: {  	[tilespmem:$0x1FEF0] =	vst v21;
	v17 =	vsel vm12, v17, v16;
	vm0 =	vnez.u8 v5  }
0xca: {  	s17 =	simm.s32 $0x20;
	[tilespmem:$0x1FF60] =	vst v20;
	v16 =	vimm.s32 $0x0;
	vm1 =	vmmov vm0;
	vm0 =	veq.s32 v3, $0xE  }
0xcb: {  	v5 =	vld [tilespmem:s17+$0x0];
	[tilespmem:s16+$0x3000] =	vst v55;
	v16 =	vsel vm0, $0xFFFFFFFF, v16;
	vm2 =	vnez.u8 v18  }
0xcc: {  	s18 =	simm.s32 $0xC0;
	[tilespmem:$0x1FFF0] =	vst v16;
	v16 =	vsel vm0, $0xFF61B1E6, v6;
	vm4 =	vmmov vm2  }
.LBB2_2:
0xcd: {  	vm6 =	veq.s32 v3, $0xF;
	v3 =	vimm.s32 $0x0  }
0xce: {  	v3 =	vsel vm6, $0xFFFFFFFF, v3  }
0xcf: {  	[tilespmem:$0x1FC40] =	vst v3;
	v3 =	vld [tilespmem:$0x1FEE0];
	_ =	sdelay $0x4  }
0xd0: {  	vm0 =	vnez.u8 v3  }
0xd1: {  	v3 =	vsel vm0, v4, v15;
	v15 =	vld [tilespmem:$0x1FD70];
	_ =	sdelay $0x4  }
0xd2: {  	vm0 =	vnez.u8 v15  }
0xd3: {  	v15 =	vimm.s32 $0x0;
	vm15 =	vmmov vm0  }
0xd4: {  	v15 =	vsel vm15, $0xFFFFFFFF, v15  }
0xd5: {  	[tilespmem:$0x1FCA0] =	vst v15;
	v15 =	vld [tilespmem:$0x1FD90];
	_ =	sdelay $0x4  }
0xd6: {  	v6 =	vld [tilespmem:s17+$0x200];
	[tilespmem:s16+$0x3200] =	vst v19;
	vm0 =	vnez.u8 v15  }
0xd7: {  	[tilespmem:s16+$0x3400] =	vst v3;
	v15 =	vimm.s32 $0x0;
	vm15 =	vmmov vm0  }
0xd8: {  	v3 =	vsel vm13, v4, v7;
	v7 =	vld [tilespmem:s17+$0x400];
	v15 =	vsel vm15, $0xFFFFFFFF, v15  }
0xd9: {  	[tilespmem:$0x1FCB0] =	vst v15;
	v15 =	vld [tilespmem:$0x1FDB0]  }
0xda: {  	[tilespmem:s16+$0x3600] =	vst v3;
	v3 =	vsel vm14, v4, v8;
	v8 =	vld [tilespmem:$0x1FF40];
	_ =	sdelay $0x3  }
0xdb: {  	[tilespmem:s16+$0x3800] =	vst v3;
	v3 =	vld [tilespmem:$0x1FF60];
	vm0 =	vnez.u8 v15  }
0xdc: {  	vm15 =	vmmov vm0;
	vm0 =	vnez.u8 v8;
	v8 =	vld [tilespmem:$0x1FF90];
	_ =	sdelay $0x3  }
0xdd: {  	v9 =	vsel vm0, v4, v9;
	vm0 =	vnez.u8 v3  }
0xde: {  	v3 =	vsel vm0, v4, v10;
	vm0 =	vnez.u8 v8  }
0xdf: {  	v15 =	vimm.s32 $0x0;
	v10 =	vsel vm0, v4, v13;
	v13 =	vld [tilespmem:$0x1FD60]  }
0xe0: {  	v15 =	vsel vm15, $0xFFFFFFFF, v15  }
0xe1: {  	vm2 =	vgt.f32 v16, v17;
	[tilespmem:$0x1FCC0] =	vst v15;
	v8 =	vld [tilespmem:s17+$0x600]  }
0xe2: {  	v15 =	vsel vm2, v16, v17;
	v16 =	vsel vm6, $0xFF61B1E6, v1;
	[tilespmem:s16+$0x3A00] =	vst v9;
	v9 =	vld [tilespmem:$0x1FFB0]  }
0xe3: {  	vm13 =	vgt.f32 v16, v15  }
0xe4: {  	v15 =	vsel vm13, v16, v15;
	vm0 =	vnez.u8 v13  }
0xe5: {  	v1 =	vsel vm0, v1, v2;
	v2 =	vsub.f32 $0.0e+00, v15  }
0xe6: {  	[tilespmem:s16+$0x3C00] =	vst v3  }
0xe7: {  	vm0 =	vnez.u8 v9;
	v9 =	vld [tilespmem:s17+$0x800];
	v2 =	vmul.f32 $1.442695020e+00, v2  }
0xe8: {  	[tilespmem:s16+$0x3E00] =	vst v10;
	v10 =	vld [tilespmem:$0x1FDD0]  }
0xe9: {  	(erf) = vpow2.f32 v2;
	v2 =	vld [tilespmem:$0x1FE00];
	_ =	sdelay $0x3  }
0xea: {  	v3 =	vsel vm1, v4, v12;
	v11 =	vsel vm0, v4, v11;
	vm0 =	vnez.u8 v10  }
0xeb: {  	v10 =	vimm.s32 $0x0;
	vm1 =	vmmov vm0;
	vm0 =	vnez.u8 v2  }
0xec: {  	v10 =	vsel vm1, $0xFFFFFFFF, v10;
	v2 =	vimm.s32 $0x0;
	vm1 =	vmmov vm0  }
0xed: {  	v2 =	vsel vm1, $0xFFFFFFFF, v2  }
0xee: {  	v1 =	vsub.f32 $0.0e+00, v1;
	[tilespmem:$0x1FCE0] =	vst v2;
	v2 =	vld [tilespmem:$0x1FE50];
	_ =	sdelay $0x1  }
0xef: {  	v1 =	vmul.f32 $1.442695020e+00, v1;
	_ =	sdelay $0x1  }
0xf0: {  	(erf) = vpow2.f32 v1;
	v1 =	vimm.s32 $0x0;
	vm0 =	vmmov vm3  }
0xf1: {  	v1 =	vsel vm0, $0xFFFFFFFF, v1;
	vm0 =	vnez.u8 v2  }
0xf2: {  	v2 =	vimm.s32 $0x0;
	vm1 =	vmmov vm0  }
0xf3: {  	v2 =	vsel vm1, $0xFFFFFFFF, v2  }
0xf4: {  	vm0 =	vmmov vm5;
	[tilespmem:$0x1FEE0] =	vst v2;
	v2 =	vimm.s32 $0x0  }
0xf5: {  	v2 =	vsel vm0, $0xFFFFFFFF, v2  }
0xf6: {  	[tilespmem:$0x1FC90] =	vst v2;
	v2 =	vld [tilespmem:$0x1FEA0];
	_ =	sdelay $0x4  }
0xf7: {  	vm3 =	vnez.u8 v2  }
0xf8: {  	v2 =	vimm.s32 $0x0;
	vm1 =	vmmov vm3  }
0xf9: {  	v2 =	vsel vm1, $0xFFFFFFFF, v2  }
0xfa: {  	[tilespmem:$0x1FC50] =	vst v2;
	v2 =	vld [tilespmem:$0x1FEC0];
	_ =	sdelay $0x4  }
0xfb: {  	vm3 =	vnez.u8 v2  }
0xfc: {  	v2 =	vimm.s32 $0x0;
	vm1 =	vmmov vm3  }
0xfd: {  	v2 =	vsel vm1, $0xFFFFFFFF, v2  }
0xfe: {  	[tilespmem:$0x1FF40] =	vst v2;
	v2 =	vld [tilespmem:$0x1FEF0];
	_ =	sdelay $0x4  }
0xff: {  	vm3 =	vnez.u8 v2  }
0x100: {  	v2 =	vimm.s32 $0x0;
	vm1 =	vmmov vm3  }
0x101: {  	v2 =	vsel vm1, $0xFFFFFFFF, v2  }
0x102: {  	[tilespmem:$0x1FF60] =	vst v2;
	v2 =	vld [tilespmem:$0x1FF20];
	_ =	sdelay $0x4  }
0x103: {  	vm3 =	vnez.u8 v2  }
0x104: {  	v2 =	vimm.s32 $0x0;
	vm1 =	vmmov vm3  }
0x105: {  	v2 =	vsel vm1, $0xFFFFFFFF, v2  }
0x106: {  	[tilespmem:$0x1FF90] =	vst v2;
	v2 =	vld [tilespmem:$0x1FF70];
	_ =	sdelay $0x4  }
0x107: {  	vm5 =	vnez.u8 v2  }
0x108: {  	v2 =	vimm.s32 $0x0;
	vm1 =	vmmov vm5  }
0x109: {  	v2 =	vsel vm1, $0xFFFFFFFF, v2  }
0x10a: {  	[tilespmem:$0x1FFB0] =	vst v2;
	v2 =	vld [tilespmem:$0x1FFC0];
	_ =	sdelay $0x4  }
0x10b: {  	vm5 =	vnez.u8 v2  }
0x10c: {  	[tilespmem:s16+$0x4000] =	vst v11;
	v2 =	vimm.s32 $0x0;
	vm1 =	vmmov vm5  }
0x10d: {  	[tilespmem:$0x1FCD0] =	vst v10;
	v10 =	vld [tilespmem:s17+$0xA00];
	v2 =	vsel vm1, $0xFFFFFFFF, v2  }
0x10e: {  	[tilespmem:$0x1FC70] =	vst v2;
	v2 =	vld [tilespmem:$0x1FDA0]  }
0x10f: {  	[tilespmem:s16+$0x4200] =	vst v3;
	v3 =	vld [tilespmem:$0x1FFF0];
	_ =	sdelay $0x3  }
0x110: {  	vm5 =	vnez.u8 v2  }
0x111: {  	v2 =	vsel vm5, $0x1, v0;
	vm5 =	vnez.u8 v3  }
0x112: {  	v3 =	vimm.s32 $0x0;
	vm1 =	vmmov vm5  }
0x113: {  	v3 =	vsel vm1, $0xFFFFFFFF, v3  }
0x114: {  	v4 =	vsel vm4, v4, v14;
	[tilespmem:$0x1FC60] =	vst v3;
	v3 =	vld [tilespmem:$0x1FDC0]  }
0x115: {  	[tilespmem:s16+$0x4400] =	vst v4;
	v4 =	vld [tilespmem:$0x1FDE0];
	_ =	sdelay $0x1  }
0x116: {  	vm15 =	vgt.f32 v6, v5  }
0x117: {  	v12 =	vsel vm15, v6, v5  }
0x118: {  	v16 =	vld [tilespmem:$0x1FE60];
	vm4 =	vgt.f32 v7, v12;
	vm6 =	vnez.u8 v3  }
0x119: {  	v12 =	vsel vm4, v7, v12;
	v2 =	vsel vm6, $0x2, v2;
	vm6 =	vnez.u8 v4;
	v4 =	vld [tilespmem:$0x1FE10]  }
0x11a: {  	v15 =	vld [tilespmem:$0x1FE30];
	vm14 =	vgt.f32 v8, v12;
	s16 =	smov.u32 s15;
	s15 =	smov.u32 s17  }
0x11b: {  	v11 =	vld [tilespmem:s15+$0xC00];
	[tilespmem:$0x1FCF0] =	vst v1;
	v1 =	vsel vm14, v8, v12  }
0x11c: {  	vm0 =	vgt.f32 v9, v1  }
0x11d: {  	v12 =	vld [tilespmem:s15+$0xE00];
	v1 =	vsel vm0, v9, v1  }
0x11e: {  	vm3 =	vgt.f32 v10, v1;
	v2 =	vsel vm6, $0x3, v2;
	vm6 =	vnez.u8 v4  }
0x11f: {  	v13 =	vld [tilespmem:s15+$0x1000];
	v1 =	vsel vm3, v10, v1;
	v2 =	vsel vm6, $0x4, v2;
	vm6 =	vnez.u8 v15  }
0x120: {  	vm5 =	vgt.f32 v11, v1;
	v2 =	vsel vm6, $0x5, v2;
	vm6 =	vnez.u8 v16;
	v16 =	vld [tilespmem:$0x1FE80]  }
0x121: {  	v14 =	vld [tilespmem:s15+$0x1200];
	vm1 =	vmmov vm12;
	v1 =	vsel vm5, v11, v1;
	v3 =	vsel vm15, $0x1, v0  }
0x122: {  	vm12 =	vmmov vm11;
	v3 =	vsel vm4, $0x2, v3;
	vm4 =	vgt.f32 v12, v1  }
0x123: {  	v17 =	vld [tilespmem:s15+$0x1400];
	vm11 =	vmmov vm10;
	v1 =	vsel vm4, v12, v1;
	v3 =	vsel vm14, $0x3, v3;
	v4 =	vpop (erf)  }
0x124: {  	vm15 =	vgt.f32 v13, v1;
	v3 =	vsel vm0, $0x4, v3;
	v4 =	vadd.f32 $1.000000000e+00, v4  }
0x125: {  	v18 =	vld [tilespmem:s15+$0x1600];
	v1 =	vsel vm15, v13, v1;
	v2 =	vsel vm6, $0x6, v2;
	vm6 =	vnez.u8 v16  }
0x126: {  	v15 =	vpop (erf);
	(erf) = vrcp.f32 v4;
	v2 =	vsel vm6, $0x7, v2;
	vm6 =	vgt.f32 v14, v1  }
0x127: {  	v20 =	vld [tilespmem:s15+$0x1800];
	v3 =	vsel vm3, $0x5, v3;
	v2 =	vsel vm8, $0x8, v2;
	v1 =	vsel vm6, v14, v1  }
0x128: {  	v15 =	vadd.f32 $1.000000000e+00, v15;
	v2 =	vsel vm7, $0x9, v2;
	vm0 =	vgt.f32 v17, v1  }
0x129: {  	v19 =	vld [tilespmem:s15+$0x1A00];
	v3 =	vsel vm5, $0x6, v3;
	v2 =	vsel vm9, $0xA, v2;
	v1 =	vsel vm0, v17, v1  }
0x12a: {  	(erf) = vrcp.f32 v15;
	v2 =	vsel vm11, $0xB, v2;
	vm3 =	vgt.f32 v18, v1  }
0x12b: {  	v3 =	vsel vm4, $0x7, v3;
	v16 =	vld [tilespmem:s15+$0x1C00];
	v2 =	vsel vm12, $0xC, v2;
	v4 =	vsel vm3, v18, v1  }
0x12c: {  	v1 =	vsel vm1, $0xD, v2;
	v2 =	vsel vm15, $0x8, v3;
	vm4 =	vgt.f32 v20, v4  }
0x12d: {  	v3 =	vsel vm2, $0xE, v1;
	v1 =	vld [tilespmem:s15+$0x1E00];
	v2 =	vsel vm6, $0x9, v2;
	v23 =	vsel vm4, v20, v4  }
0x12e: {  	v55 =	vld [tilespmem:$0x1FC40];
	v15 =	vsel vm13, $0xF, v3;
	v2 =	vsel vm0, $0xA, v2;
	vm0 =	vgt.f32 v19, v23  }
0x12f: {  	v21 =	vpop (erf);
	vm2 =	veq.s32 v15, $0xF;
	v2 =	vsel vm3, $0xB, v2;
	v3 =	vsel vm0, v19, v23  }
0x130: {  	v22 =	vnsel vm2, $0x0, v21;
	v2 =	vsel vm4, $0xC, v2;
	vm2 =	vgt.f32 v16, v3  }
0x131: {  	v56 =	vsel vm0, $0xD, v2;
	v2 =	vsel vm2, v16, v3  }
0x132: {  	v3 =	vsel vm2, $0xE, v56;
	vm0 =	vgt.f32 v1, v2  }
0x133: {  	vm1 =	vnez.u8 v55;
	v4 =	vpop (erf);
	v3 =	vsel vm0, $0xF, v3  }
0x134: {  	v22 =	vsel vm1, v4, v22;
	vm1 =	veq.s32 v3, $0x0  }
0x135: {  	v57 =	vimm.s32 $0x0;
	v5 =	vsel vm1, $0xFF61B1E6, v5  }
0x136: {  	v58 =	vimm.s32 $0x0;
	vm9 =	veq.s32 v3, $0x1;
	vm7 =	vgt.f32 v5, $-3.000000010e+38  }
0x137: {  	v59 =	vimm.s32 $0x0;
	v6 =	vsel vm9, $0xFF61B1E6, v6;
	v5 =	vnsel vm7, $0xFF61B1E6, v5  }
0x138: {  	v60 =	vimm.s32 $0x0;
	v61 =	vimm.s32 $0x0;
	vm11 =	vgt.f32 v6, v5  }
0x139: {  	vm10 =	veq.s32 v3, $0x2;
	v5 =	vsel vm11, v6, v5;
	v6 =	vimm.s32 $0x0  }
0x13a: {  	vm3 =	veq.s32 v15, $0x0;
	vm14 =	veq.s32 v15, $0x1;
	v6 =	vsel vm10, $0xFFFFFFFF, v6  }
0x13b: {  	vm6 =	veq.s32 v15, $0x3;
	vm5 =	veq.s32 v15, $0x4;
	[tilespmem:$0x1FDB0] =	vst v6;
	v6 =	vsel vm10, $0xFF61B1E6, v7  }
0x13c: {  	[tilespmem:s16+$0x4600] =	vst v22;
	v22 =	vsel vm0, $0xFFFFFFFF, v57;
	vm12 =	veq.s32 v3, $0x3;
	vm13 =	vgt.f32 v6, v5  }
0x13d: {  	[tilespmem:$0x1FD60] =	vst v22;
	v22 =	vsel vm1, $0xFFFFFFFF, v58;
	v5 =	vsel vm13, v6, v5;
	v6 =	vimm.s32 $0x0  }
0x13e: {  	vm8 =	veq.s32 v15, $0x5;
	[tilespmem:$0x1FD70] =	vst v22;
	v7 =	vimm.s32 $0x0;
	v6 =	vsel vm12, $0xFFFFFFFF, v6  }
0x13f: {  	vm0 =	veq.s32 v15, $0x8;
	v7 =	vsel vm13, $0xFFFFFFFF, v7;
	[tilespmem:$0x1FDD0] =	vst v6;
	v6 =	vsel vm12, $0xFF61B1E6, v8  }
0x140: {  	v22 =	vsel vm0, $0xFFFFFFFF, v59;
	[tilespmem:$0x1FDC0] =	vst v7;
	v7 =	vimm.s32 $0x0;
	vm0 =	vgt.f32 v6, v5  }
0x141: {  	vm4 =	veq.s32 v15, $0x2;
	v62 =	vnsel vm3, $0x0, v21;
	v7 =	vsel vm0, $0xFFFFFFFF, v7  }
0x142: {  	vm15 =	veq.s32 v3, $0x4;
	v5 =	vsel vm0, v6, v5;
	v6 =	vimm.s32 $0x0;
	[tilespmem:$0x1FDE0] =	vst v7;
	v7 =	vld [tilespmem:$0x1FC50]  }
0x143: {  	v63 =	vnsel vm14, $0x0, v21;
	v26 =	vnsel vm5, $0x0, v21;
	v6 =	vsel vm15, $0xFFFFFFFF, v6  }
0x144: {  	v24 =	vnsel vm4, $0x0, v21;
	vm2 =	veq.s32 v15, $0x7;
	[tilespmem:$0x1FE00] =	vst v6;
	v6 =	vsel vm15, $0xFF61B1E6, v9  }
0x145: {  	vm3 =	veq.s32 v3, $0x5;
	vm4 =	veq.s32 v3, $0x6;
	vm0 =	vgt.f32 v6, v5  }
0x146: {  	vm5 =	veq.s32 v3, $0x7;
	vm1 =	veq.s32 v15, $0x6;
	v5 =	vsel vm0, v6, v5  }
0x147: {  	v6 =	vsel vm3, $0xFF61B1E6, v10;
	vm14 =	vnez.u8 v7;
	v7 =	vimm.s32 $0x0  }
0x148: {  	[tilespmem:$0x1FC80] =	vst v22;
	v22 =	vsel vm9, $0xFFFFFFFF, v60;
	v7 =	vsel vm0, $0xFFFFFFFF, v7;
	vm0 =	vgt.f32 v6, v5  }
0x149: {  	vm7 =	veq.s32 v15, $0x9;
	[tilespmem:$0x1FD90] =	vst v22;
	v5 =	vsel vm0, v6, v5;
	v6 =	vimm.s32 $0x0  }
0x14a: {  	vm9 =	veq.s32 v15, $0xA;
	v22 =	vsel vm11, $0xFFFFFFFF, v61;
	[tilespmem:$0x1FE10] =	vst v7;
	v6 =	vsel vm4, $0xFFFFFFFF, v6  }
0x14b: {  	vm11 =	veq.s32 v15, $0xC;
	v7 =	vimm.s32 $0x0;
	[tilespmem:$0x1FE50] =	vst v6;
	v6 =	vsel vm4, $0xFF61B1E6, v11  }
0x14c: {  	vm10 =	veq.s32 v15, $0xB;
	v7 =	vsel vm0, $0xFFFFFFFF, v7;
	vm0 =	vgt.f32 v6, v5  }
0x14d: {  	vm13 =	veq.s32 v15, $0xE;
	[tilespmem:$0x1FE30] =	vst v7;
	v7 =	vld [tilespmem:$0x1FC60];
	v5 =	vsel vm0, v6, v5;
	v6 =	vsel vm5, $0xFF61B1E6, v12  }
0x14e: {  	[tilespmem:s16+$0x2600] =	vst v15;
	vm12 =	veq.s32 v15, $0xD;
	v15 =	vnsel vm1, $0x0, v21;
	vm1 =	vgt.f32 v6, v5  }
0x14f: {  	v8 =	vimm.s32 $0x0;
	v5 =	vsel vm1, v6, v5;
	v6 =	vld [tilespmem:$0x1FC70]  }
0x150: {  	v8 =	vsel vm1, $0xFFFFFFFF, v8  }
0x151: {  	[tilespmem:$0x1FE80] =	vst v8;
	v8 =	vld [tilespmem:$0x1FC80]  }
0x152: {  	vm4 =	vnez.u8 v7;
	v7 =	vimm.s32 $0x0  }
0x153: {  	v7 =	vsel vm0, $0xFFFFFFFF, v7  }
0x154: {  	vm0 =	veq.s32 v3, $0x8;
	vm1 =	vnez.u8 v6;
	v6 =	vimm.s32 $0x0  }
0x155: {  	v6 =	vsel vm0, $0xFFFFFFFF, v6  }
0x156: {  	[tilespmem:$0x1FEA0] =	vst v6;
	v6 =	vsel vm0, $0xFF61B1E6, v13;
	vm0 =	vnez.u8 v8  }
0x157: {  	v27 =	vnsel vm8, $0x0, v21;
	v8 =	vnsel vm0, $0x0, v21;
	vm8 =	vgt.f32 v6, v5  }
0x158: {  	vm0 =	veq.s32 v3, $0x9;
	v5 =	vsel vm8, v6, v5;
	v6 =	vimm.s32 $0x0  }
0x159: {  	v6 =	vsel vm0, $0xFFFFFFFF, v6  }
0x15a: {  	[tilespmem:$0x1FEC0] =	vst v6;
	v6 =	vsel vm0, $0xFF61B1E6, v14  }
0x15b: {  	v9 =	vnsel vm7, $0x0, v21;
	vm7 =	vgt.f32 v6, v5  }
0x15c: {  	vm0 =	veq.s32 v3, $0xA;
	v5 =	vsel vm7, v6, v5;
	v6 =	vimm.s32 $0x0  }
0x15d: {  	v6 =	vsel vm0, $0xFFFFFFFF, v6  }
0x15e: {  	[tilespmem:$0x1FEF0] =	vst v6;
	v6 =	vsel vm0, $0xFF61B1E6, v17;
	v17 =	vld [tilespmem:$0x1FC90];
	_ =	sdelay $0x4  }
0x15f: {  	v14 =	vnsel vm13, $0x0, v21;
	vm13 =	vnez.u8 v17;
	v17 =	vld [tilespmem:$0x1FCA0];
	_ =	sdelay $0x1  }
0x160: {  	[tilespmem:s16+$0x2200] =	vst v21  }
0x161: {  	[tilespmem:s16+$0x2000] =	vst v4;
	v10 =	vnsel vm9, $0x0, v21;
	vm9 =	vgt.f32 v6, v5  }
0x162: {  	[tilespmem:s15+$0x2400] =	vst v3;
	vm0 =	veq.s32 v3, $0xB;
	v5 =	vsel vm9, v6, v5;
	v6 =	vimm.s32 $0x0  }
0x163: {  	[tilespmem:$0x1FE60] =	vst v7;
	v7 =	vnsel vm2, $0x0, v21;
	v6 =	vsel vm0, $0xFFFFFFFF, v6;
	vm2 =	vnez.u8 v17  }
0x164: {  	[tilespmem:$0x1FF20] =	vst v6;
	v6 =	vsel vm0, $0xFF61B1E6, v18;
	v17 =	vsel vm2, v4, v62  }
0x165: {  	v13 =	vnsel vm10, $0x0, v21;
	vm10 =	vgt.f32 v6, v5;
	[tilespmem:s16+$0x2800] =	vst v17;
	v17 =	vld [tilespmem:$0x1FCB0]  }
0x166: {  	vm0 =	veq.s32 v3, $0xC;
	v5 =	vsel vm10, v6, v5;
	v6 =	vimm.s32 $0x0  }
0x167: {  	v6 =	vsel vm0, $0xFFFFFFFF, v6  }
0x168: {  	[tilespmem:$0x1FF70] =	vst v6;
	v6 =	vsel vm0, $0xFF61B1E6, v20  }
0x169: {  	v11 =	vnsel vm11, $0x0, v21;
	vm11 =	vgt.f32 v6, v5  }
0x16a: {  	v6 =	vsel vm11, v6, v5;
	vm0 =	vnez.u8 v17  }
0x16b: {  	v5 =	vimm.s32 $0x0;
	v17 =	vsel vm0, v4, v63;
	vm0 =	veq.s32 v3, $0xD  }
0x16c: {  	[tilespmem:s16+$0x2A00] =	vst v17;
	v17 =	vld [tilespmem:$0x1FCC0];
	v5 =	vsel vm0, $0xFFFFFFFF, v5  }
0x16d: {  	[tilespmem:$0x1FFC0] =	vst v5;
	v5 =	vld [tilespmem:$0x1FCD0];
	_ =	sdelay $0x3  }
0x16e: {  	v25 =	vnsel vm6, $0x0, v21;
	v12 =	vnsel vm12, $0x0, v21  }
0x16f: {  	v18 =	vsel vm0, $0xFF61B1E6, v19;
	vm2 =	vnez.u8 v17;
	vm0 =	vnez.u8 v5  }
0x170: {  	vm12 =	vgt.f32 v18, v6;
	v17 =	vsel vm2, v4, v24;
	v5 =	vsel vm0, v4, v25  }
0x171: {  	[tilespmem:s16+$0x2C00] =	vst v17;
	vm0 =	veq.s32 v3, $0xE;
	v17 =	vsel vm12, v18, v6;
	v6 =	vimm.s32 $0x0  }
0x172: {  	[tilespmem:s16+$0x2E00] =	vst v5;
	v5 =	vld [tilespmem:$0x1FCE0];
	v6 =	vsel vm0, $0xFFFFFFFF, v6  }
0x173: {  	[tilespmem:$0x1FFF0] =	vst v6;
	v6 =	vld [tilespmem:$0x1FCF0]  }
0x174: {  	p0 =	sne.s32 s18, $0x7C0  }
.Ltmp0:
0x175: {  	_ = 	snop;
	(pc) =	sbr.rel @p0 .LBB2_2-.Ltmp0, $4  }
0x176: {  	_ = 	snop  }
0x177: {  	vm2 =	vnez.u8 v5  }
0x178: {  	s17 =	sshra.s32 s18, $0x2;
	[tilespmem:$0x1FDA0] =	vst v22;
	v16 =	vsel vm0, $0xFF61B1E6, v16;
	v19 =	vsel vm2, v4, v26;
	vm0 =	vnez.u8 v6  }
0x179: {  	s18 =	sadd.s32 $0x40, s18;
	v5 =	vld [tilespmem:s17+$0x0];
	[tilespmem:s16+$0x3000] =	vst v19;
	v19 =	vsel vm0, v4, v27  }
0x17a: {  	v18 =	vld [tilespmem:$0x1FEE0];
	_ =	sdelay $0x1  }
0x17b: {  	v6 =	vld [tilespmem:s17+$0x200]  }
0x17c: {  	v22 =	vld [tilespmem:$0x1FF40]  }
0x17d: {  	v23 =	vld [tilespmem:$0x1FF60]  }
0x17e: {  	v24 =	vld [tilespmem:$0x1FF90];
	vm0 =	vnez.u8 v18  }
0x17f: {  	[tilespmem:s16+$0x3200] =	vst v19;
	v25 =	vld [tilespmem:$0x1FFB0];
	v15 =	vsel vm0, v4, v15  }
0x180: {  	v7 =	vsel vm13, v4, v7;
	[tilespmem:s16+$0x3400] =	vst v15  }
0x181: {  	v8 =	vsel vm14, v4, v8;
	vm6 =	vnez.u8 v22;
	v15 =	vld [tilespmem:s17+$0x400];
	[tilespmem:s16+$0x3600] =	vst v7  }
0x182: {  	vm13 =	vnez.u8 v23;
	[tilespmem:s16+$0x3800] =	vst v8;
	v7 =	vsel vm6, v4, v9  }
0x183: {  	vm14 =	vnez.u8 v24;
	v9 =	vsel vm13, v4, v10;
	v8 =	vld [tilespmem:s17+$0x600];
	[tilespmem:s16+$0x3A00] =	vst v7  }
0x184: {  	vm15 =	vnez.u8 v25;
	vm0 =	vgt.f32 v6, v5;
	[tilespmem:s16+$0x3C00] =	vst v9;
	v7 =	vsel vm14, v4, v13  }
0x185: {  	v26 =	vsel vm0, v6, v5;
	v10 =	vsel vm15, v4, v11;
	v9 =	vld [tilespmem:s17+$0x800];
	[tilespmem:s16+$0x3E00] =	vst v7  }
0x186: {  	v27 =	vsel vm1, v4, v12;
	[tilespmem:s16+$0x4000] =	vst v10;
	vm1 =	vgt.f32 v15, v26  }
0x187: {  	v29 =	vsel vm4, v4, v14;
	v28 =	vld [tilespmem:s17+$0xA00];
	[tilespmem:s16+$0x4200] =	vst v27;
	v7 =	vsel vm1, v15, v26  }
0x188: {  	[tilespmem:s16+$0x4400] =	vst v29;
	vm2 =	vgt.f32 v8, v7  }
0x189: {  	v30 =	vimm.s32 $0x0;
	v4 =	vld [tilespmem:s17+$0xC00];
	v7 =	vsel vm2, v8, v7  }
0x18a: {  	v10 =	vsel vm3, $0xFFFFFFFF, v30;
	vm3 =	vgt.f32 v9, v7  }
0x18b: {  	v31 =	vld [tilespmem:s17+$0xE00];
	v7 =	vsel vm3, v9, v7  }
0x18c: {  	vm4 =	vgt.f32 v28, v7  }
0x18d: {  	v33 =	vimm.s32 $0x0;
	v32 =	vld [tilespmem:s17+$0x1000];
	v7 =	vsel vm4, v28, v7  }
0x18e: {  	v13 =	vsel vm5, $0xFFFFFFFF, v33;
	vm5 =	vgt.f32 v4, v7  }
0x18f: {  	v34 =	vld [tilespmem:s17+$0x1200];
	v7 =	vsel vm5, v4, v7  }
0x190: {  	vm13 =	vgt.f32 v31, v7  }
0x191: {  	v36 =	vsel vm0, $0x1, v0;
	v35 =	vld [tilespmem:s17+$0x1400];
	v7 =	vsel vm13, v31, v7  }
0x192: {  	v18 =	vsel vm1, $0x2, v36;
	vm6 =	vgt.f32 v32, v7  }
0x193: {  	v38 =	vimm.s32 $0x0;
	v19 =	vld [tilespmem:s17+$0x1600];
	v18 =	vsel vm2, $0x3, v18;
	v7 =	vsel vm6, v32, v7  }
0x194: {  	v41 =	vimm.s32 $0x0;
	v18 =	vsel vm3, $0x4, v18;
	vm0 =	vgt.f32 v34, v7  }
0x195: {  	v42 =	vimm.s32 $0x0;
	v20 =	vld [tilespmem:s17+$0x1800];
	v18 =	vsel vm4, $0x5, v18;
	v7 =	vsel vm0, v34, v7  }
0x196: {  	v43 =	vimm.s32 $0x0;
	v18 =	vsel vm5, $0x6, v18;
	vm1 =	vgt.f32 v35, v7  }
0x197: {  	v47 =	vimm.s32 $0x0;
	v21 =	vld [tilespmem:s17+$0x1A00];
	v18 =	vsel vm13, $0x7, v18;
	v7 =	vsel vm1, v35, v7  }
0x198: {  	v39 =	vld [tilespmem:$0x1FD60];
	v48 =	vimm.s32 $0x0;
	v18 =	vsel vm6, $0x8, v18;
	vm15 =	vgt.f32 v19, v7  }
0x199: {  	v22 =	vld [tilespmem:s17+$0x1C00];
	v18 =	vsel vm0, $0x9, v18;
	vm0 =	veq.s32 v3, $0xF;
	v7 =	vsel vm15, v19, v7  }
0x19a: {  	v18 =	vsel vm1, $0xA, v18;
	vm1 =	vgt.f32 v16, v17;
	vm6 =	vgt.f32 v20, v7  }
0x19b: {  	v23 =	vld [tilespmem:s17+$0x1E00];
	v37 =	vsel vm0, $0xFF61B1E6, v1;
	v16 =	vsel vm1, v16, v17;
	v7 =	vsel vm6, v20, v7  }
0x19c: {  	v18 =	vsel vm15, $0xB, v18;
	vm2 =	vgt.f32 v37, v16;
	vm13 =	vgt.f32 v21, v7  }
0x19d: {  	v18 =	vsel vm6, $0xC, v18;
	vm6 =	vnez.u8 v39;
	v7 =	vsel vm13, v21, v7  }
0x19e: {  	v16 =	vsel vm2, v37, v16;
	v1 =	vsel vm6, v1, v2;
	vm14 =	vgt.f32 v22, v7  }
0x19f: {  	v2 =	vsub.f32 $0.0e+00, v16;
	v18 =	vsel vm13, $0xD, v18;
	v7 =	vsel vm14, v22, v7  }
0x1a0: {  	v52 =	vimm.s32 $0x0;
	v18 =	vsel vm14, $0xE, v18;
	vm14 =	vgt.f32 v23, v7  }
0x1a1: {  	v53 =	vimm.s32 $0x0;
	v2 =	vmul.f32 $1.442695020e+00, v2;
	v3 =	vsel vm14, $0xF, v18  }
0x1a2: {  	v57 =	vimm.s32 $0x0;
	v58 =	vimm.s32 $0x0;
	vm15 =	veq.s32 v3, $0x0  }
0x1a3: {  	v1 =	vsub.f32 $0.0e+00, v1;
	(erf) = vpow2.f32 v2;
	v40 =	vsel vm15, $0xFF61B1E6, v5  }
0x1a4: {  	v17 =	vsel vm15, $0xFFFFFFFF, v38;
	vm15 =	veq.s32 v3, $0x1;
	vm13 =	vgt.f32 v40, $-3.000000010e+38  }
0x1a5: {  	v1 =	vmul.f32 $1.442695020e+00, v1;
	v6 =	vsel vm15, $0xFF61B1E6, v6;
	v5 =	vnsel vm13, $0xFF61B1E6, v40  }
0x1a6: {  	v61 =	vimm.s32 $0x0;
	vm6 =	veq.s32 v3, $0x2;
	vm4 =	vgt.f32 v6, v5  }
0x1a7: {  	(erf) = vpow2.f32 v1;
	v44 =	vsel vm6, $0xFF61B1E6, v15;
	v2 =	vsel vm4, v6, v5  }
0x1a8: {  	v46 =	vld [tilespmem:$0x1FDC0];
	v1 =	vimm.s32 $0x0;
	[tilespmem:$0x1FB80] =	vst v17;
	v16 =	vsel vm15, $0xFFFFFFFF, v41;
	vm5 =	vgt.f32 v44, v2  }
0x1a9: {  	v24 =	vimm.s32 $0x0;
	v26 =	vimm.s32 $0x0;
	[tilespmem:$0x1FB90] =	vst v16;
	v1 =	vsel vm5, $0xFFFFFFFF, v1  }
0x1aa: {  	vm13 =	veq.s32 v3, $0x3;
	v16 =	vsel vm4, $0xFFFFFFFF, v42;
	[tilespmem:$0x1FB20] =	vst v1;
	v1 =	vimm.s32 $0x0  }
0x1ab: {  	v15 =	vimm.s32 $0x0;
	v17 =	vimm.s32 $0x0;
	[tilespmem:$0x1FB10] =	vst v16;
	v1 =	vsel vm13, $0xFFFFFFFF, v1  }
0x1ac: {  	v45 =	vsel vm13, $0xFF61B1E6, v8;
	v16 =	vsel vm6, $0xFFFFFFFF, v43;
	v2 =	vsel vm5, v44, v2;
	v60 =	vpop (erf);
	[tilespmem:$0x1FBB0] =	vst v1;
	v1 =	vld [tilespmem:$0x1FDA0]  }
0x1ad: {  	vm6 =	vnez.u8 v46;
	vm5 =	vgt.f32 v45, v2;
	v5 =	vadd.f32 $1.000000000e+00, v60  }
0x1ae: {  	v49 =	vld [tilespmem:$0x1FDE0];
	v6 =	vsel vm5, $0xFFFFFFFF, v47;
	vm13 =	veq.s32 v3, $0x4;
	v2 =	vsel vm5, v45, v2  }
0x1af: {  	v51 =	vld [tilespmem:$0x1FE10];
	[tilespmem:$0x1FB30] =	vst v6;
	v6 =	vsel vm13, $0xFFFFFFFF, v48;
	v50 =	vsel vm13, $0xFF61B1E6, v9;
	vm13 =	veq.s32 v3, $0x5  }
0x1b0: {  	v54 =	vld [tilespmem:$0x1FE30];
	(erf) = vrcp.f32 v5;
	vm5 =	vgt.f32 v50, v2;
	v55 =	vsel vm13, $0xFF61B1E6, v28  }
0x1b1: {  	v56 =	vld [tilespmem:$0x1FE60];
	[tilespmem:$0x1FBC0] =	vst v6;
	v6 =	vsel vm5, $0xFFFFFFFF, v52;
	v2 =	vsel vm5, v50, v2;
	vm15 =	vnez.u8 v1  }
0x1b2: {  	v59 =	vld [tilespmem:$0x1FE80];
	[tilespmem:$0x1FB40] =	vst v6;
	v6 =	vsel vm13, $0xFFFFFFFF, v53;
	vm5 =	vgt.f32 v55, v2;
	v1 =	vsel vm15, $0x1, v0  }
0x1b3: {  	vm13 =	veq.s32 v3, $0x6;
	vm15 =	vnez.u8 v49;
	v1 =	vsel vm6, $0x2, v1  }
0x1b4: {  	[tilespmem:$0x1FBD0] =	vst v6;
	v6 =	vsel vm5, $0xFFFFFFFF, v57;
	vm6 =	vnez.u8 v51;
	v1 =	vsel vm15, $0x3, v1  }
0x1b5: {  	v2 =	vsel vm5, v55, v2;
	vm15 =	vnez.u8 v54;
	v1 =	vsel vm6, $0x4, v1  }
0x1b6: {  	v4 =	vsel vm13, $0xFF61B1E6, v4;
	vm6 =	vnez.u8 v56;
	v1 =	vsel vm15, $0x5, v1  }
0x1b7: {  	[tilespmem:$0x1FB50] =	vst v6;
	v6 =	vsel vm13, $0xFFFFFFFF, v58;
	vm15 =	vnez.u8 v59;
	v1 =	vsel vm6, $0x6, v1  }
0x1b8: {  	vm6 =	veq.s32 v3, $0x7;
	v1 =	vsel vm15, $0x7, v1;
	vm15 =	vgt.f32 v4, v2  }
0x1b9: {  	v62 =	vpop (erf);
	[tilespmem:$0x1FBE0] =	vst v6;
	v6 =	vsel vm6, $0xFFFFFFFF, v61;
	v63 =	vsel vm6, $0xFF61B1E6, v31;
	vm6 =	veq.s32 v3, $0x9  }
0x1ba: {  	v1 =	vsel vm8, $0x8, v1;
	[tilespmem:$0x1FBF0] =	vst v6;
	v2 =	vsel vm15, v4, v2;
	v6 =	vadd.f32 $1.000000000e+00, v62  }
0x1bb: {  	vm8 =	veq.s32 v3, $0x8;
	v5 =	vsel vm6, $0xFFFFFFFF, v17;
	vm13 =	vgt.f32 v63, v2  }
0x1bc: {  	[tilespmem:$0x1FBA0] =	vst v16;
	v18 =	vsel vm6, $0xFF61B1E6, v34;
	v16 =	vsel vm8, $0xFF61B1E6, v32;
	v2 =	vsel vm13, v63, v2  }
0x1bd: {  	v8 =	vsel vm8, $0xFFFFFFFF, v15;
	v1 =	vsel vm7, $0x9, v1;
	vm8 =	vgt.f32 v16, v2  }
0x1be: {  	v1 =	vsel vm9, $0xA, v1;
	vm9 =	veq.s32 v3, $0xA;
	v2 =	vsel vm8, v16, v2  }
0x1bf: {  	[tilespmem:$0x1FC10] =	vst v5;
	(erf) = vrcp.f32 v6;
	v5 =	vsel vm9, $0xFFFFFFFF, v24;
	vm7 =	vgt.f32 v18, v2  }
0x1c0: {  	v1 =	vsel vm10, $0xB, v1;
	v25 =	vsel vm9, $0xFF61B1E6, v35;
	v2 =	vsel vm7, v18, v2  }
0x1c1: {  	v1 =	vsel vm11, $0xC, v1;
	vm11 =	veq.s32 v3, $0xB;
	vm6 =	vgt.f32 v25, v2  }
0x1c2: {  	vm9 =	veq.s32 v3, $0xC;
	v27 =	vsel vm11, $0xFF61B1E6, v19;
	v2 =	vsel vm6, v25, v2  }
0x1c3: {  	vm10 =	veq.s32 v3, $0xD;
	v28 =	vsel vm9, $0xFF61B1E6, v20;
	vm5 =	vgt.f32 v27, v2  }
0x1c4: {  	v32 =	vsel vm10, $0xFF61B1E6, v21;
	v1 =	vsel vm12, $0xD, v1;
	v2 =	vsel vm5, v27, v2  }
0x1c5: {  	[tilespmem:$0x1FC20] =	vst v5;
	v5 =	vsel vm11, $0xFFFFFFFF, v26;
	v1 =	vsel vm1, $0xE, v1;
	vm4 =	vgt.f32 v28, v2  }
0x1c6: {  	vm11 =	veq.s32 v3, $0xE;
	v1 =	vsel vm2, $0xF, v1;
	v2 =	vsel vm4, v28, v2  }
0x1c7: {  	v29 =	vpop (erf);
	v33 =	vsel vm11, $0xFF61B1E6, v22;
	vm12 =	veq.s32 v1, $0xF;
	vm3 =	vgt.f32 v32, v2  }
0x1c8: {  	v30 =	vnsel vm12, $0x0, v29;
	vm12 =	veq.s32 v1, $0x0;
	v2 =	vsel vm3, v32, v2  }
0x1c9: {  	v34 =	vnsel vm12, $0x0, v29;
	vm12 =	veq.s32 v3, $0xF;
	vm2 =	vgt.f32 v33, v2  }
0x1ca: {  	v35 =	vsel vm12, $0xFF61B1E6, v23;
	v2 =	vsel vm2, v33, v2  }
0x1cb: {  	v7 =	vsel vm14, v23, v7;
	vm14 =	veq.s32 v1, $0x5;
	vm1 =	vgt.f32 v35, v2  }
0x1cc: {  	v40 =	vnsel vm14, $0x0, v29;
	vm14 =	veq.s32 v1, $0x7;
	v2 =	vsel vm1, v35, v2  }
0x1cd: {  	v42 =	vnsel vm14, $0x0, v29;
	vm14 =	veq.s32 v1, $0x9;
	v2 =	vsub.f32 $0.0e+00, v2  }
0x1ce: {  	v31 =	vpop (erf);
	v43 =	vnsel vm14, $0x0, v29;
	vm14 =	veq.s32 v1, $0xA  }
0x1cf: {  	v48 =	vld [tilespmem:$0x1FB10];
	v6 =	vsel vm0, v31, v30;
	vm0 =	veq.s32 v1, $0x1;
	v2 =	vmul.f32 $1.442695020e+00, v2  }
0x1d0: {  	v44 =	vnsel vm14, $0x0, v29;
	vm14 =	veq.s32 v1, $0xC;
	v36 =	vnsel vm0, $0x0, v29  }
0x1d1: {  	vm0 =	veq.s32 v1, $0x2;
	v46 =	vnsel vm14, $0x0, v29;
	(erf) = vpow2.f32 v2  }
0x1d2: {  	vm14 =	veq.s32 v1, $0xD;
	v37 =	vnsel vm0, $0x0, v29;
	vm0 =	veq.s32 v1, $0x3  }
0x1d3: {  	v47 =	vnsel vm14, $0x0, v29;
	v38 =	vnsel vm0, $0x0, v29;
	vm0 =	veq.s32 v1, $0x4  }
0x1d4: {  	v50 =	vld [tilespmem:$0x1FB20];
	vm14 =	vnez.u8 v48;
	v39 =	vnsel vm0, $0x0, v29;
	vm0 =	veq.s32 v1, $0x6  }
0x1d5: {  	v20 =	vsel vm14, $0x1, v0;
	v41 =	vnsel vm0, $0x0, v29;
	vm0 =	veq.s32 v1, $0x8  }
0x1d6: {  	[tilespmem:s15+$0x2600] =	vst v1;
	vm14 =	veq.s32 v1, $0xE;
	v2 =	vnsel vm0, $0x0, v29;
	vm0 =	veq.s32 v1, $0xB;
	v1 =	vld [tilespmem:$0x1FD70]  }
0x1d7: {  	v7 =	vsub.f32 $0.0e+00, v7;
	v51 =	vld [tilespmem:$0x1FB30]  }
0x1d8: {  	v52 =	vld [tilespmem:$0x1FD90];
	[tilespmem:s15+$0x2200] =	vst v29  }
0x1d9: {  	v7 =	vmul.f32 $1.442695020e+00, v7;
	v54 =	vld [tilespmem:$0x1FB40];
	[tilespmem:s15+$0x2000] =	vst v31;
	v49 =	vnsel vm14, $0x0, v29;
	vm14 =	vnez.u8 v50  }
0x1da: {  	v55 =	vld [tilespmem:$0x1FDB0];
	[tilespmem:s15+$0x4600] =	vst v6;
	v20 =	vsel vm14, $0x2, v20;
	v59 =	vpop (erf)  }
0x1db: {  	v57 =	vld [tilespmem:$0x1FB50];
	[tilespmem:s17+$0x2400] =	vst v3;
	(erf) = vpow2.f32 v7;
	vm14 =	vnez.u8 v1;
	v3 =	vadd.f32 $1.000000000e+00, v59  }
0x1dc: {  	[tilespmem:$0x1FB60] =	vst v10;
	v58 =	vld [tilespmem:$0x1FDD0];
	v45 =	vnsel vm0, $0x0, v29;
	vm0 =	vmmov vm14;
	vm14 =	vnez.u8 v51  }
0x1dd: {  	v9 =	vsel vm14, $0x3, v20;
	vm14 =	vnez.u8 v52;
	(erf) = vrcp.f32 v3;
	v3 =	vld [tilespmem:$0x1FB60]  }
0x1de: {  	v1 =	vsel vm0, v31, v34;
	vm0 =	vmmov vm14;
	vm14 =	vnez.u8 v54  }
0x1df: {  	v9 =	vsel vm14, $0x4, v9;
	vm14 =	vnez.u8 v55  }
0x1e0: {  	v53 =	vsel vm0, v31, v36;
	vm0 =	vmmov vm14;
	vm14 =	vnez.u8 v57  }
0x1e1: {  	v61 =	vld [tilespmem:$0x1FE00];
	v9 =	vsel vm14, $0x5, v9;
	vm14 =	vnez.u8 v58  }
0x1e2: {  	v56 =	vsel vm0, v31, v37;
	vm0 =	vmmov vm14;
	vm14 =	vnez.u8 v3;
	v3 =	vld [tilespmem:$0x1FE50]  }
0x1e3: {  	[tilespmem:$0x1FB70] =	vst v13  }
0x1e4: {  	v10 =	vld [tilespmem:$0x1FB70];
	v60 =	vpop (erf)  }
0x1e5: {  	v13 =	vld [tilespmem:$0x1FEC0];
	[tilespmem:s15+$0x2800] =	vst v1;
	v1 =	vadd.f32 $1.000000000e+00, v60;
	v9 =	vsel vm15, $0x6, v9  }
0x1e6: {  	v4 =	vsel vm0, v31, v38;
	v9 =	vsel vm13, $0x7, v9;
	vm13 =	vnez.u8 v61  }
0x1e7: {  	(erf) = vrcp.f32 v1;
	vm0 =	vmmov vm13;
	vm15 =	vnez.u8 v3  }
0x1e8: {  	v9 =	vsel vm8, $0x8, v9;
	v62 =	vsel vm0, v31, v39;
	vm8 =	vmmov vm15  }
0x1e9: {  	v11 =	vld [tilespmem:$0x1FEA0];
	vm0 =	vmmov vm14;
	v3 =	vsel vm8, v31, v41;
	vm8 =	vnez.u8 v10  }
0x1ea: {  	vm14 =	vnez.u8 v13;
	v1 =	vsel vm0, v31, v40;
	vm0 =	vmmov vm8  }
0x1eb: {  	v20 =	vld [tilespmem:$0x1FF70];
	v12 =	vsel vm0, v31, v42;
	vm0 =	vmmov vm14  }
0x1ec: {  	v14 =	vld [tilespmem:$0x1FEF0];
	v63 =	vsel vm7, $0x9, v9;
	[tilespmem:s15+$0x3400] =	vst v3;
	v3 =	vsel vm0, v31, v43  }
0x1ed: {  	v9 =	vsel vm6, $0xA, v63;
	[tilespmem:s15+$0x3A00] =	vst v3;
	v3 =	vld [tilespmem:$0x1FFC0]  }
0x1ee: {  	[tilespmem:s15+$0x2E00] =	vst v4;
	vm13 =	vnez.u8 v11;
	v4 =	vsel vm5, $0xB, v9  }
0x1ef: {  	v16 =	vld [tilespmem:$0x1FF20];
	vm6 =	vmmov vm13;
	[tilespmem:s15+$0x3200] =	vst v1;
	v1 =	vsel vm4, $0xC, v4  }
0x1f0: {  	v2 =	vsel vm6, v31, v2;
	vm5 =	vnez.u8 v20;
	v1 =	vsel vm3, $0xD, v1  }
0x1f1: {  	v1 =	vsel vm2, $0xE, v1;
	vm2 =	vmmov vm5;
	vm15 =	vnez.u8 v14  }
0x1f2: {  	v22 =	vsel vm2, v31, v46;
	v1 =	vsel vm1, $0xF, v1;
	vm6 =	vnez.u8 v3;
	v3 =	vld [tilespmem:$0x1FFF0]  }
0x1f3: {  	[tilespmem:$0x1FC00] =	vst v8;
	vm4 =	vmmov vm15;
	vm13 =	veq.s32 v1, $0x0;
	vm15 =	veq.s32 v1, $0x2  }
0x1f4: {  	[tilespmem:$0x1FC30] =	vst v5;
	v36 =	vld [tilespmem:$0x1FB90];
	vm5 =	veq.s32 v1, $0x4;
	v15 =	vsel vm4, v31, v44;
	vm4 =	vnez.u8 v16  }
0x1f5: {  	[tilespmem:s15+$0x2A00] =	vst v53;
	v39 =	vld [tilespmem:$0x1FBA0];
	vm8 =	veq.s32 v1, $0xF;
	vm14 =	veq.s32 v1, $0x1;
	vm0 =	vmmov vm4  }
0x1f6: {  	[tilespmem:s15+$0x3800] =	vst v2;
	v40 =	vld [tilespmem:$0x1FBB0];
	vm4 =	veq.s32 v1, $0x3;
	v2 =	vsel vm0, v31, v45;
	vm0 =	vmmov vm6  }
0x1f7: {  	[tilespmem:s15+$0x2C00] =	vst v56;
	v44 =	vld [tilespmem:$0x1FBC0];
	vm6 =	veq.s32 v1, $0x5;
	v23 =	vsel vm0, v31, v47;
	vm7 =	vnez.u8 v3;
	v3 =	vpop (erf)  }
0x1f8: {  	[tilespmem:s15+$0x3000] =	vst v62;
	vm1 =	vmmov vm7;
	v25 =	vnsel vm8, $0x0, v3;
	v27 =	vnsel vm13, $0x0, v3  }
0x1f9: {  	v35 =	vld [tilespmem:$0x1FB80];
	[tilespmem:s15+$0x4000] =	vst v22;
	v28 =	vnsel vm14, $0x0, v3;
	v29 =	vnsel vm15, $0x0, v3;
	v30 =	vnsel vm4, $0x0, v3  }
0x1fa: {  	[tilespmem:s15+$0x3C00] =	vst v15;
	v45 =	vld [tilespmem:$0x1FBD0];
	v32 =	vnsel vm6, $0x0, v3;
	vm7 =	veq.s32 v1, $0x6;
	vm8 =	veq.s32 v1, $0x7  }
0x1fb: {  	v50 =	vld [tilespmem:$0x1FBF0];
	[tilespmem:s15+$0x3600] =	vst v12;
	vm13 =	vnez.u8 v36;
	vm14 =	veq.s32 v1, $0x8;
	vm15 =	vnez.u8 v39  }
0x1fc: {  	[tilespmem:s15+$0x3E00] =	vst v2;
	v2 =	vpop (erf);
	vm4 =	vnez.u8 v40;
	vm6 =	vnez.u8 v44;
	v24 =	vsel vm1, v31, v49  }
0x1fd: {  	[tilespmem:s15+$0x4200] =	vst v23;
	v26 =	vsel vm12, v2, v25;
	v31 =	vnsel vm5, $0x0, v3;
	v33 =	vnsel vm7, $0x0, v3  }
0x1fe: {  	v55 =	vld [tilespmem:$0x1FC10];
	v34 =	vnsel vm8, $0x0, v3;
	vm12 =	vnez.u8 v35;
	vm1 =	vmmov vm13;
	[tilespmem:s15+$0x4400] =	vst v24  }
0x1ff: {  	v38 =	vnsel vm14, $0x0, v3;
	vm5 =	veq.s32 v1, $0x9;
	vm7 =	vnez.u8 v45;
	[tilespmem:s17+$0x2600] =	vst v1  }
0x200: {  	vm8 =	veq.s32 v1, $0xA;
	vm13 =	vnez.u8 v50;
	vm14 =	veq.s32 v1, $0xB;
	[tilespmem:s17+$0x2200] =	vst v3  }
0x201: {  	vm0 =	vmmov vm12;
	v4 =	vsel vm1, v2, v28;
	vm1 =	vmmov vm4;
	[tilespmem:s17+$0x2000] =	vst v2  }
0x202: {  	v59 =	vld [tilespmem:$0x1FC30];
	v42 =	vnsel vm5, $0x0, v3;
	v47 =	vnsel vm8, $0x0, v3;
	v52 =	vnsel vm14, $0x0, v3;
	[tilespmem:s17+$0x4600] =	vst v26  }
0x203: {  	vm4 =	vnez.u8 v55;
	vm5 =	veq.s32 v1, $0xC;
	v37 =	vsel vm0, v2, v27;
	[tilespmem:s17+$0x2A00] =	vst v4  }
0x204: {  	vm8 =	veq.s32 v1, $0xD;
	vm0 =	vmmov vm15;
	v43 =	vsel vm1, v2, v30;
	[tilespmem:s17+$0x2800] =	vst v37  }
0x205: {  	v49 =	vld [tilespmem:$0x1FBE0];
	vm14 =	veq.s32 v1, $0xE;
	vm1 =	vmmov vm7;
	v41 =	vsel vm0, v2, v29;
	[tilespmem:s17+$0x2E00] =	vst v43  }
0x206: {  	v57 =	vnsel vm5, $0x0, v3;
	vm0 =	vmmov vm6;
	v48 =	vsel vm1, v2, v32;
	[tilespmem:s17+$0x2C00] =	vst v41  }
0x207: {  	v54 =	vld [tilespmem:$0x1FC00];
	vm7 =	vnez.u8 v59;
	vm1 =	vmmov vm13;
	v46 =	vsel vm0, v2, v31;
	[tilespmem:s17+$0x3200] =	vst v48  }
0x208: {  	v61 =	vnsel vm8, $0x0, v3;
	vm13 =	vmmov vm10;
	v53 =	vsel vm1, v2, v34;
	[tilespmem:s17+$0x3000] =	vst v46  }
0x209: {  	v58 =	vld [tilespmem:$0x1FC20];
	v1 =	vnsel vm14, $0x0, v3;
	vm1 =	vmmov vm4;
	v3 =	vsel vm13, v2, v61;
	[tilespmem:s17+$0x3600] =	vst v53  }
0x20a: {  	vm12 =	vnez.u8 v49;
	v4 =	vsel vm1, v2, v42;
	vm1 =	vmmov vm7;
	[tilespmem:s17+$0x4200] =	vst v3  }
0x20b: {  	vm0 =	vmmov vm12;
	[tilespmem:s17+$0x3A00] =	vst v4;
	v62 =	vsel vm1, v2, v52  }
0x20c: {  	vm15 =	vnez.u8 v54;
	vm12 =	vmmov vm9;
	v51 =	vsel vm0, v2, v33;
	[tilespmem:s17+$0x3E00] =	vst v62  }
0x20d: {  	vm0 =	vmmov vm15;
	v63 =	vsel vm12, v2, v57;
	[tilespmem:s17+$0x3400] =	vst v51  }
0x20e: {  	vm6 =	vnez.u8 v58;
	vm15 =	vmmov vm11;
	v56 =	vsel vm0, v2, v38;
	[tilespmem:s17+$0x4000] =	vst v63  }
0x20f: {  	vm0 =	vmmov vm6;
	v1 =	vsel vm15, v2, v1;
	[tilespmem:s17+$0x3800] =	vst v56  }
0x210: {  	v60 =	vsel vm0, v2, v47;
	[tilespmem:s17+$0x4400] =	vst v1  }
0x211: {  	[tilespmem:s17+$0x3C00] =	vst v60  }
0x212: {  	[hbm4b:s4+s8] =	stream.strided.scatter [tilespmem:s11], [sflag:$0x1], $0x400, s9, s8, $0x38;
	[tilespmem:$0x4800] =	vst v63  }
0x213: {  	_ =	swait.ge [sflag:s10], $0x400  }
0x214: {  	[sflag:s10] =	ssyncset.done $0x0  }
0x215: {  	[sflag:s10] =	ssyncadd.s32 $0xFFFFFC00  }
0x216: {  	[hbm4b:s5+s8] =	stream.strided.scatter [tilespmem:s12], [sflag:$0x1], $0x400, s9, s8, $0x38;
	[tilespmem:$0x4800] =	vst v63  }
0x217: {  	s14 =	sadd.s32 $0x1, s14;
	_ =	swait.ge [sflag:s10], $0x400  }
0x218: {  	p0 =	sne.s32 s14, s7;
	[sflag:s10] =	ssyncset.done $0x0  }
.Ltmp1:
0x219: {  	[sflag:s10] =	ssyncadd.s32 $0xFFFFFC00;
	(pc) =	sbr.rel @p0 .LBB2_1-.Ltmp1, $4  }
0x21a: {  	[hbm4b:s6+s8] =	stream.strided.scatter [tilespmem:s13], [sflag:$0x1], $0x2000, s9, s8, $0x38;
	[tilespmem:$0x4800] =	vst v63  }
0x21b: {  	_ =	swait.ge [sflag:s10], $0x2000  }
0x21c: {  	[sflag:s10] =	ssyncset.done $0x0  }
0x21d: {  	[sflag:s10] =	ssyncadd.s32 $0xFFFFE000  }
0x21e: {  	_ =	sfence.sel $0x180000  }
0x21f: {  	[bflag:$0x0] =	sbarrier.arrive $0xFFFF  }
0x220: {  	p0 =	sne.s32 s1, $0x0;
	_ =	strace $0x90000047  }
0x221: {  	s0 =	sadd.s32 @!p0 $0x100000, s0;
	[bflag:$0x2] =	sbarrier.arrive $0xFFFF  }
0x222: {  	[sflag:s0] =	ssyncadd.tile.s32 @!p0 $0x1;
	_ =	shalt  }
.Lfunc_end2:
_tile_overlayer_lowered:
.L_overlay_start_2:
0x223: {  	(tag) =	ssettag $0x2  }
0x224: {  	s0 =	rddreg [dreg:$0x0];
	s2 =	stileid.u32  }
0x225: {  	s1 =	rddreg [dreg:$0x1];
	p0 =	sne.s32 s2, $0x0  }
0x226: {  	s3 =	rddreg [dreg:$0x2];
	[bflag:$0x3] =	sbarrier.arrive $0xFFFF;
	s2 =	simm.s32 @!p0 $0x1C01  }
0x227: {  	[timem:s3], [sflag:s2] =	dma.local @!p0 [hbm:s0], s1  }
0x228: {  	s0 =	simm.s32 @!p0 $0x1  }
0x229: {  	_ =	swait.ge @!p0 [sflag:s0], s1  }
0x22a: {  	s1 =	ssub.s32 @!p0 $0x0, s1;
	[sflag:s0] =	ssyncset.done @!p0 $0x0  }
0x22b: {  	[sflag:s0] =	ssyncadd.s32 @!p0 s1  }
0x22c: {  	[bflag:$0x3] =	sbarrier.arrive $0xFFFF  }
0x22d: {  	_ =	shalt  }

</sc_bundles>
